<compile_context>
chip_gen: v7x
topology: tpu7x:2x2x1
jax: 0.10.2.dev20260603
libtpu: 0.0.44.dev20260713+nightly
codegen_flags: <defaults>
</compile_context>

<pallas_src>
import functools

import jax
import jax.numpy as jnp
from jax import lax
from jax.experimental import pallas as pl
from jax.experimental.pallas import tpu as pltpu
from jax.experimental.pallas import tpu_sc as plsc

VOCAB = 1000
VPAD = 1024
NREP = 1048
VEXT = VOCAB + NREP
EMB = 128
B = 4096
L = 20
LPAD = 24
N = B * L

NC = 2
NS = 16
NW = NC * NS
BAT_W = B // NW
NBUF = 4


def _table_body(emb_ref, wt_ref, b_ref, out_ref):
    g = jnp.dot(emb_ref[...], wt_ref[...], preferred_element_type=jnp.float32)
    g = g + b_ref[...]
    m = jnp.max(g, axis=1, keepdims=True)
    e = jnp.exp(g - m)
    lse = jnp.log(jnp.sum(e, axis=1, keepdims=True))
    out_ref[...] = g - (m + lse)


def _compute_table(embedding, fc1_w, fc1_b):
    wt_pad = jnp.pad(fc1_w.T, ((0, 0), (0, VPAD - VOCAB)))
    b_pad = jnp.pad(
        fc1_b.reshape(1, VOCAB), ((0, 0), (0, VPAD - VOCAB)),
        constant_values=-1e30,
    )
    return pl.pallas_call(
        _table_body,
        out_shape=jax.ShapeDtypeStruct((VOCAB, VPAD), jnp.float32),
    )(embedding, wt_pad, b_pad)


def _ids_body(x_ref, m_ref, out_ref):
    t = x_ref[...] * m_ref[...]
    pos = (lax.broadcasted_iota(jnp.int32, (B, LPAD), 0) * LPAD
           + lax.broadcasted_iota(jnp.int32, (B, LPAD), 1))
    repl = VOCAB + lax.rem(pos, NREP)
    lpos = lax.broadcasted_iota(jnp.int32, (B, LPAD), 1)
    tp = jnp.pad(t, ((0, 0), (0, LPAD - L)))
    out_ref[...] = jnp.where((tp == 0) | (lpos >= L), repl, tp)


def _compute_ids(x, mask):
    return pl.pallas_call(
        _ids_body,
        out_shape=jax.ShapeDtypeStruct((B, LPAD), jnp.int32),
    )(x.astype(jnp.int32), mask.astype(jnp.int32))


def _gather_body(ids_hbm, tab_hbm, out_hbm, idv, bufs, gsems, ssems):
    wid = lax.axis_index("s") * NC + lax.axis_index("c")
    bbase = wid * BAT_W
    pltpu.sync_copy(ids_hbm.at[pl.ds(bbase, BAT_W)], idv)

    def g_start(j, b):
        pltpu.async_copy(tab_hbm.at[idv.at[j]], bufs[b], gsems[b])

    def g_wait(b):
        pltpu.make_async_copy(tab_hbm.at[idv.at[0]],
                              bufs[b], gsems[b]).wait()

    def s_start(j, b):
        pltpu.async_copy(bufs[b], out_hbm.at[bbase + j], ssems[b])

    def s_wait(b):
        pltpu.make_async_copy(bufs[b], out_hbm.at[bbase], ssems[b]).wait()

    g_start(0, 0)
    g_start(1, 1)

    def group(gi, carry):
        for b in range(NBUF):
            j = gi * NBUF + b
            jj = j + 2
            b2 = (b + 2) % NBUF

            @pl.when(jj < BAT_W)
            def _issue():
                @pl.when(j >= 2)
                def _free():
                    s_wait(b2)
                g_start(jj, b2)

            g_wait(b)
            s_start(j, b)
        return carry

    lax.fori_loop(0, BAT_W // NBUF, group, 0)
    for b in range(NBUF):
        s_wait(b)


_sc_gather = functools.partial(
    pl.kernel,
    out_type=jax.ShapeDtypeStruct((B, LPAD, VPAD), jnp.float32),
    mesh=plsc.VectorSubcoreMesh(
        core_axis_name="c", subcore_axis_name="s", num_cores=NC, num_subcores=NS
    ),
    scratch_types=[
        pltpu.VMEM((BAT_W, LPAD), jnp.int32),
        [pltpu.VMEM((LPAD, VPAD), jnp.float32) for _ in range(NBUF)],
        [pltpu.SemaphoreType.DMA for _ in range(NBUF)],
        [pltpu.SemaphoreType.DMA for _ in range(NBUF)],
    ],
)(_gather_body)


def kernel(x, mask, embedding, fc1_w, fc1_b):
    table = _compute_table(embedding, fc1_w, fc1_b)
    ids = _compute_ids(x, mask)
    table_ext = jnp.concatenate(
        [table, jnp.broadcast_to(table[0:1], (NREP, VPAD))], axis=0)
    return _sc_gather(ids, table_ext)[:, :L, :VOCAB]

# --- scband reference (transcript-rebuilt; emitter-appended) ---
"""Pipeline reference for scband-masked-language-model-55860344652280 (READ-ONLY COPY).

The authoritative reference and input builder live on the scoring server;
editing this copy changes nothing except your own understanding.
"""

import jax, jax.numpy as jnp
import numpy as np

VOCAB = 1000
EMB = 128
B = 4096
L = 20

def setup_inputs(seed: int = 0) -> dict:
    key = jax.random.key(seed)
    k1, k2, k3, k4, k5 = jax.random.split(key, 5)
    x = jax.random.randint(k1, (B, L), 0, VOCAB, dtype=jnp.int64) if jax.config.jax_enable_x64 else jax.random.randint(k1, (B, L), 0, VOCAB).astype(jnp.int32)
    mask = jax.random.randint(k2, (B, L), 0, 2).astype(x.dtype)
    embedding = jax.random.normal(k3, (VOCAB, EMB), dtype=jnp.float32)
    fc1_w = jax.random.normal(k4, (VOCAB, EMB), dtype=jnp.float32) * (1.0 / np.sqrt(EMB))
    fc1_b = jax.random.normal(k5, (VOCAB,), dtype=jnp.float32) * 0.01
    return {"x": x, "mask": mask, "embedding": embedding, "fc1_w": fc1_w, "fc1_b": fc1_b}

def reference(x, mask, embedding, fc1_w, fc1_b):
    masked_x = x * mask
    embedded = jnp.take(embedding, masked_x, axis=0)  # [B, L, EMB]
    logits = jnp.einsum('ble,ve->blv', embedded, fc1_w) + fc1_b  # [B, L, VOCAB]
    output = jax.nn.log_softmax(logits, axis=2)
    return output

if __name__ == "__main__":
    import jax
    _d = setup_inputs()
    print(jax.jit(kernel)(*tuple(_d.values())))

</pallas_src>

<mosaic_0001>
#map = affine_map<(d0, d1) -> (0, 0)>
#map1 = affine_map<(d0, d1) -> (0, 0, 0)>
module attributes {stable_mosaic.version = 14 : i64} {
  func.func @_gather_body(%arg0: i32, %arg1: i32, %arg2: memref<4096x24xi32, #tpu.memory_space<hbm>>, %arg3: memref<2048x1024xf32, #tpu.memory_space<hbm>>, %arg4: memref<4096x24x1024xf32, #tpu.memory_space<hbm>>, %arg5: memref<128x24xi32, #tpu.memory_space<vmem>>, %arg6: memref<24x1024xf32, #tpu.memory_space<vmem>>, %arg7: memref<24x1024xf32, #tpu.memory_space<vmem>>, %arg8: memref<24x1024xf32, #tpu.memory_space<vmem>>, %arg9: memref<24x1024xf32, #tpu.memory_space<vmem>>, %arg10: memref<!tpu.dma_semaphore, #tpu.memory_space<semaphore_mem>>, %arg11: memref<!tpu.dma_semaphore, #tpu.memory_space<semaphore_mem>>, %arg12: memref<!tpu.dma_semaphore, #tpu.memory_space<semaphore_mem>>, %arg13: memref<!tpu.dma_semaphore, #tpu.memory_space<semaphore_mem>>, %arg14: memref<!tpu.dma_semaphore, #tpu.memory_space<semaphore_mem>>, %arg15: memref<!tpu.dma_semaphore, #tpu.memory_space<semaphore_mem>>, %arg16: memref<!tpu.dma_semaphore, #tpu.memory_space<semaphore_mem>>, %arg17: memref<!tpu.dma_semaphore, #tpu.memory_space<semaphore_mem>>) attributes {dimension_semantics = [#tpu.dimension_semantics<core_parallel>, #tpu.dimension_semantics<subcore_parallel>], iteration_bounds = array<i64: 2, 16>, scalar_prefetch = 0 : i64, scratch_operands = 13 : i64, tpu.core_type = #tpu.core_type<sc_vector_subcore>, window_params = [{transform_indices = #map}, {transform_indices = #map}, {transform_indices = #map1}]} {
    %mul3A = arith.constant 2 : i32
    %mul3A_0 = arith.muli %arg1, %mul3A : i32
    %add3A = arith.addi %mul3A_0, %arg0 : i32
    %mul3A_1 = arith.constant 128 : i32
    %mul3A_2 = arith.muli %add3A, %mul3A_1 : i32
    "tpu.region"() ({
      %run_scoped3A = tpu.sem_alloc : memref<!tpu.dma_semaphore, #tpu.memory_space<semaphore_mem>>
      %dma_start3A_52 = arith.constant 0 : i32
      %dma_start3A_53 = tpu.memref_slice %arg2[%mul3A_2, %dma_start3A_52] : memref<4096x24xi32, #tpu.memory_space<hbm>> -> memref<128x24xi32, #tpu.memory_space<hbm>>
      %dma_start3A_54 = arith.constant 0 : i32
      %dma_start3A_55 = tpu.memref_slice %arg2[%mul3A_2, %dma_start3A_54] : memref<4096x24xi32, #tpu.memory_space<hbm>> -> memref<128x24xi32, #tpu.memory_space<hbm>>
      tpu.enqueue_dma source(%dma_start3A_55 : memref<128x24xi32, #tpu.memory_space<hbm>>) target(%arg5 : memref<128x24xi32, #tpu.memory_space<vmem>>) target_semaphore(%run_scoped3A : memref<!tpu.dma_semaphore, #tpu.memory_space<semaphore_mem>>)
      %dma_wait3A_56 = arith.constant 0 : i32
      %dma_wait3A_57 = tpu.memref_slice %arg2[%mul3A_2, %dma_wait3A_56] : memref<4096x24xi32, #tpu.memory_space<hbm>> -> memref<128x24xi32, #tpu.memory_space<hbm>>
      %dma_wait3A_58 = arith.constant 0 : i32
      %dma_wait3A_59 = tpu.memref_slice %arg2[%mul3A_2, %dma_wait3A_58] : memref<4096x24xi32, #tpu.memory_space<hbm>> -> memref<128x24xi32, #tpu.memory_space<hbm>>
      tpu.wait_dma2 semaphore(%run_scoped3A : memref<!tpu.dma_semaphore, #tpu.memory_space<semaphore_mem>>) src(%dma_wait3A_59 : memref<128x24xi32, #tpu.memory_space<hbm>>) dst(%arg5 : memref<128x24xi32, #tpu.memory_space<vmem>>)
      tpu.yield
    }) : () -> ()
    %dma_start3A = arith.constant 0 : i32
    %dma_start3A_3 = arith.constant 0 : i32
    %dma_start3A_4 = tpu.memref_slice %arg5[%dma_start3A, %dma_start3A_3] : memref<128x24xi32, #tpu.memory_space<vmem>> -> memref<1x24xi32, #tpu.memory_space<vmem>>
    %dma_start3A_5 = tpu.memref_squeeze %dma_start3A_4 : memref<1x24xi32, #tpu.memory_space<vmem>> -> memref<24xi32, #tpu.memory_space<vmem>>
    %dma_start3A_6 = arith.constant 0 : i32
    %dma_start3A_7 = arith.constant 0 : i32
    %dma_start3A_8 = tpu.memref_slice %arg3[%dma_start3A_6, %dma_start3A_7] : memref<2048x1024xf32, #tpu.memory_space<hbm>> -> memref<2048x1024xf32, #tpu.memory_space<hbm>>
    tpu.enqueue_indirect_dma source(%dma_start3A_8 : memref<2048x1024xf32, #tpu.memory_space<hbm>>) target(%arg6 : memref<24x1024xf32, #tpu.memory_space<vmem>>) offsets(%dma_start3A_5 : memref<24xi32, #tpu.memory_space<vmem>>) semaphore(%arg10 : memref<!tpu.dma_semaphore, #tpu.memory_space<semaphore_mem>>)
    %dma_start3A_9 = arith.constant 1 : i32
    %dma_start3A_10 = arith.constant 0 : i32
    %dma_start3A_11 = tpu.memref_slice %arg5[%dma_start3A_9, %dma_start3A_10] : memref<128x24xi32, #tpu.memory_space<vmem>> -> memref<1x24xi32, #tpu.memory_space<vmem>>
    %dma_start3A_12 = tpu.memref_squeeze %dma_start3A_11 : memref<1x24xi32, #tpu.memory_space<vmem>> -> memref<24xi32, #tpu.memory_space<vmem>>
    %dma_start3A_13 = arith.constant 0 : i32
    %dma_start3A_14 = arith.constant 0 : i32
    %dma_start3A_15 = tpu.memref_slice %arg3[%dma_start3A_13, %dma_start3A_14] : memref<2048x1024xf32, #tpu.memory_space<hbm>> -> memref<2048x1024xf32, #tpu.memory_space<hbm>>
    tpu.enqueue_indirect_dma source(%dma_start3A_15 : memref<2048x1024xf32, #tpu.memory_space<hbm>>) target(%arg7 : memref<24x1024xf32, #tpu.memory_space<vmem>>) offsets(%dma_start3A_12 : memref<24xi32, #tpu.memory_space<vmem>>) semaphore(%arg11 : memref<!tpu.dma_semaphore, #tpu.memory_space<semaphore_mem>>)
    %scan3A = arith.constant 0 : i32
    %scan3A_16 = arith.constant 0 : i32
    %scan3A_17 = arith.constant 32 : i32
    %scan3A_18 = arith.addi %scan3A_16, %scan3A_17 : i32
    %scan3A_19 = arith.constant 1 : i32
    scf.for %scan3A_52 = %scan3A_16 to %scan3A_18 step %scan3A_19  : i32 {
      %mul3A_53 = arith.constant 4 : i32
      %mul3A_54 = arith.muli %scan3A_52, %mul3A_53 : i32
      %add3A_55 = arith.constant 0 : i32
      %add3A_56 = arith.addi %mul3A_54, %add3A_55 : i32
      %add3A_57 = arith.constant 2 : i32
      %add3A_58 = arith.addi %add3A_56, %add3A_57 : i32
      %lt3A = arith.constant 128 : i32
      %lt3A_59 = arith.cmpi slt, %add3A_58, %lt3A : i32
      %convert_element_type3A = arith.extui %lt3A_59 : i1 to i32
      %cond3A = arith.constant 0 : i32
      %cond3A_60 = arith.cmpi ne, %convert_element_type3A, %cond3A : i32
      scf.if %cond3A_60 {
        %ge3A = arith.constant 2 : i32
        %ge3A_158 = arith.cmpi sge, %add3A_56, %ge3A : i32
        %convert_element_type3A_159 = arith.extui %ge3A_158 : i1 to i32
        %cond3A_160 = arith.constant 0 : i32
        %cond3A_161 = arith.cmpi ne, %convert_element_type3A_159, %cond3A_160 : i32
        scf.if %cond3A_161 {
          %dma_wait3A_168 = arith.constant 0 : i32
          %dma_wait3A_169 = arith.constant 0 : i32
          %dma_wait3A_170 = tpu.memref_slice %arg4[%mul3A_2, %dma_wait3A_168, %dma_wait3A_169] : memref<4096x24x1024xf32, #tpu.memory_space<hbm>> -> memref<1x24x1024xf32, #tpu.memory_space<hbm>>
          %dma_wait3A_171 = tpu.memref_squeeze %dma_wait3A_170 : memref<1x24x1024xf32, #tpu.memory_space<hbm>> -> memref<24x1024xf32, #tpu.memory_space<hbm>>
          %dma_wait3A_172 = arith.constant 0 : i32
          %dma_wait3A_173 = arith.constant 0 : i32
          %dma_wait3A_174 = tpu.memref_slice %arg4[%mul3A_2, %dma_wait3A_172, %dma_wait3A_173] : memref<4096x24x1024xf32, #tpu.memory_space<hbm>> -> memref<1x24x1024xf32, #tpu.memory_space<hbm>>
          %dma_wait3A_175 = tpu.memref_squeeze %dma_wait3A_174 : memref<1x24x1024xf32, #tpu.memory_space<hbm>> -> memref<24x1024xf32, #tpu.memory_space<hbm>>
          tpu.wait_dma2 semaphore(%arg16 : memref<!tpu.dma_semaphore, #tpu.memory_space<semaphore_mem>>) src(%arg8 : memref<24x1024xf32, #tpu.memory_space<vmem>>) dst(%dma_wait3A_175 : memref<24x1024xf32, #tpu.memory_space<hbm>>)
        } else {
        }
        %dma_start3A_162 = arith.constant 0 : i32
        %dma_start3A_163 = tpu.memref_slice %arg5[%add3A_58, %dma_start3A_162] : memref<128x24xi32, #tpu.memory_space<vmem>> -> memref<1x24xi32, #tpu.memory_space<vmem>>
        %dma_start3A_164 = tpu.memref_squeeze %dma_start3A_163 : memref<1x24xi32, #tpu.memory_space<vmem>> -> memref<24xi32, #tpu.memory_space<vmem>>
        %dma_start3A_165 = arith.constant 0 : i32
        %dma_start3A_166 = arith.constant 0 : i32
        %dma_start3A_167 = tpu.memref_slice %arg3[%dma_start3A_165, %dma_start3A_166] : memref<2048x1024xf32, #tpu.memory_space<hbm>> -> memref<2048x1024xf32, #tpu.memory_space<hbm>>
        tpu.enqueue_indirect_dma source(%dma_start3A_167 : memref<2048x1024xf32, #tpu.memory_space<hbm>>) target(%arg8 : memref<24x1024xf32, #tpu.memory_space<vmem>>) offsets(%dma_start3A_164 : memref<24xi32, #tpu.memory_space<vmem>>) semaphore(%arg12 : memref<!tpu.dma_semaphore, #tpu.memory_space<semaphore_mem>>)
      } else {
      }
      %dma_wait3A_61 = arith.constant 0 : i32
      %dma_wait3A_62 = arith.constant 0 : i32
      %dma_wait3A_63 = tpu.memref_slice %arg5[%dma_wait3A_61, %dma_wait3A_62] : memref<128x24xi32, #tpu.memory_space<vmem>> -> memref<1x24xi32, #tpu.memory_space<vmem>>
      %dma_wait3A_64 = tpu.memref_squeeze %dma_wait3A_63 : memref<1x24xi32, #tpu.memory_space<vmem>> -> memref<24xi32, #tpu.memory_space<vmem>>
      %dma_wait3A_65 = arith.constant 0 : i32
      %dma_wait3A_66 = arith.constant 0 : i32
      %dma_wait3A_67 = tpu.memref_slice %arg3[%dma_wait3A_65, %dma_wait3A_66] : memref<2048x1024xf32, #tpu.memory_space<hbm>> -> memref<2048x1024xf32, #tpu.memory_space<hbm>>
      tpu.wait_indirect_dma semaphore(%arg10 : memref<!tpu.dma_semaphore, #tpu.memory_space<semaphore_mem>>) src(%dma_wait3A_67 : memref<2048x1024xf32, #tpu.memory_space<hbm>>) dst(%arg6 : memref<24x1024xf32, #tpu.memory_space<vmem>>)
      %add3A_68 = arith.addi %mul3A_2, %add3A_56 : i32
      %dma_start3A_69 = arith.constant 0 : i32
      %dma_start3A_70 = arith.constant 0 : i32
      %dma_start3A_71 = tpu.memref_slice %arg4[%add3A_68, %dma_start3A_69, %dma_start3A_70] : memref<4096x24x1024xf32, #tpu.memory_space<hbm>> -> memref<1x24x1024xf32, #tpu.memory_space<hbm>>
      %dma_start3A_72 = tpu.memref_squeeze %dma_start3A_71 : memref<1x24x1024xf32, #tpu.memory_space<hbm>> -> memref<24x1024xf32, #tpu.memory_space<hbm>>
      %dma_start3A_73 = arith.constant 0 : i32
      %dma_start3A_74 = arith.constant 0 : i32
      %dma_start3A_75 = tpu.memref_slice %arg4[%add3A_68, %dma_start3A_73, %dma_start3A_74] : memref<4096x24x1024xf32, #tpu.memory_space<hbm>> -> memref<1x24x1024xf32, #tpu.memory_space<hbm>>
      %dma_start3A_76 = tpu.memref_squeeze %dma_start3A_75 : memref<1x24x1024xf32, #tpu.memory_space<hbm>> -> memref<24x1024xf32, #tpu.memory_space<hbm>>
      tpu.enqueue_dma source(%arg6 : memref<24x1024xf32, #tpu.memory_space<vmem>>) target(%dma_start3A_76 : memref<24x1024xf32, #tpu.memory_space<hbm>>) target_semaphore(%arg14 : memref<!tpu.dma_semaphore, #tpu.memory_space<semaphore_mem>>)
      %mul3A_77 = arith.constant 4 : i32
      %mul3A_78 = arith.muli %scan3A_52, %mul3A_77 : i32
      %add3A_79 = arith.constant 1 : i32
      %add3A_80 = arith.addi %mul3A_78, %add3A_79 : i32
      %add3A_81 = arith.constant 2 : i32
      %add3A_82 = arith.addi %add3A_80, %add3A_81 : i32
      %lt3A_83 = arith.constant 128 : i32
      %lt3A_84 = arith.cmpi slt, %add3A_82, %lt3A_83 : i32
      %convert_element_type3A_85 = arith.extui %lt3A_84 : i1 to i32
      %cond3A_86 = arith.constant 0 : i32
      %cond3A_87 = arith.cmpi ne, %convert_element_type3A_85, %cond3A_86 : i32
      scf.if %cond3A_87 {
        %ge3A = arith.constant 2 : i32
        %ge3A_158 = arith.cmpi sge, %add3A_80, %ge3A : i32
        %convert_element_type3A_159 = arith.extui %ge3A_158 : i1 to i32
        %cond3A_160 = arith.constant 0 : i32
        %cond3A_161 = arith.cmpi ne, %convert_element_type3A_159, %cond3A_160 : i32
        scf.if %cond3A_161 {
          %dma_wait3A_168 = arith.constant 0 : i32
          %dma_wait3A_169 = arith.constant 0 : i32
          %dma_wait3A_170 = tpu.memref_slice %arg4[%mul3A_2, %dma_wait3A_168, %dma_wait3A_169] : memref<4096x24x1024xf32, #tpu.memory_space<hbm>> -> memref<1x24x1024xf32, #tpu.memory_space<hbm>>
          %dma_wait3A_171 = tpu.memref_squeeze %dma_wait3A_170 : memref<1x24x1024xf32, #tpu.memory_space<hbm>> -> memref<24x1024xf32, #tpu.memory_space<hbm>>
          %dma_wait3A_172 = arith.constant 0 : i32
          %dma_wait3A_173 = arith.constant 0 : i32
          %dma_wait3A_174 = tpu.memref_slice %arg4[%mul3A_2, %dma_wait3A_172, %dma_wait3A_173] : memref<4096x24x1024xf32, #tpu.memory_space<hbm>> -> memref<1x24x1024xf32, #tpu.memory_space<hbm>>
          %dma_wait3A_175 = tpu.memref_squeeze %dma_wait3A_174 : memref<1x24x1024xf32, #tpu.memory_space<hbm>> -> memref<24x1024xf32, #tpu.memory_space<hbm>>
          tpu.wait_dma2 semaphore(%arg17 : memref<!tpu.dma_semaphore, #tpu.memory_space<semaphore_mem>>) src(%arg9 : memref<24x1024xf32, #tpu.memory_space<vmem>>) dst(%dma_wait3A_175 : memref<24x1024xf32, #tpu.memory_space<hbm>>)
        } else {
        }
        %dma_start3A_162 = arith.constant 0 : i32
        %dma_start3A_163 = tpu.memref_slice %arg5[%add3A_82, %dma_start3A_162] : memref<128x24xi32, #tpu.memory_space<vmem>> -> memref<1x24xi32, #tpu.memory_space<vmem>>
        %dma_start3A_164 = tpu.memref_squeeze %dma_start3A_163 : memref<1x24xi32, #tpu.memory_space<vmem>> -> memref<24xi32, #tpu.memory_space<vmem>>
        %dma_start3A_165 = arith.constant 0 : i32
        %dma_start3A_166 = arith.constant 0 : i32
        %dma_start3A_167 = tpu.memref_slice %arg3[%dma_start3A_165, %dma_start3A_166] : memref<2048x1024xf32, #tpu.memory_space<hbm>> -> memref<2048x1024xf32, #tpu.memory_space<hbm>>
        tpu.enqueue_indirect_dma source(%dma_start3A_167 : memref<2048x1024xf32, #tpu.memory_space<hbm>>) target(%arg9 : memref<24x1024xf32, #tpu.memory_space<vmem>>) offsets(%dma_start3A_164 : memref<24xi32, #tpu.memory_space<vmem>>) semaphore(%arg13 : memref<!tpu.dma_semaphore, #tpu.memory_space<semaphore_mem>>)
      } else {
      }
      %dma_wait3A_88 = arith.constant 0 : i32
      %dma_wait3A_89 = arith.constant 0 : i32
      %dma_wait3A_90 = tpu.memref_slice %arg5[%dma_wait3A_88, %dma_wait3A_89] : memref<128x24xi32, #tpu.memory_space<vmem>> -> memref<1x24xi32, #tpu.memory_space<vmem>>
      %dma_wait3A_91 = tpu.memref_squeeze %dma_wait3A_90 : memref<1x24xi32, #tpu.memory_space<vmem>> -> memref<24xi32, #tpu.memory_space<vmem>>
      %dma_wait3A_92 = arith.constant 0 : i32
      %dma_wait3A_93 = arith.constant 0 : i32
      %dma_wait3A_94 = tpu.memref_slice %arg3[%dma_wait3A_92, %dma_wait3A_93] : memref<2048x1024xf32, #tpu.memory_space<hbm>> -> memref<2048x1024xf32, #tpu.memory_space<hbm>>
      tpu.wait_indirect_dma semaphore(%arg11 : memref<!tpu.dma_semaphore, #tpu.memory_space<semaphore_mem>>) src(%dma_wait3A_94 : memref<2048x1024xf32, #tpu.memory_space<hbm>>) dst(%arg7 : memref<24x1024xf32, #tpu.memory_space<vmem>>)
      %add3A_95 = arith.addi %mul3A_2, %add3A_80 : i32
      %dma_start3A_96 = arith.constant 0 : i32
      %dma_start3A_97 = arith.constant 0 : i32
      %dma_start3A_98 = tpu.memref_slice %arg4[%add3A_95, %dma_start3A_96, %dma_start3A_97] : memref<4096x24x1024xf32, #tpu.memory_space<hbm>> -> memref<1x24x1024xf32, #tpu.memory_space<hbm>>
      %dma_start3A_99 = tpu.memref_squeeze %dma_start3A_98 : memref<1x24x1024xf32, #tpu.memory_space<hbm>> -> memref<24x1024xf32, #tpu.memory_space<hbm>>
      %dma_start3A_100 = arith.constant 0 : i32
      %dma_start3A_101 = arith.constant 0 : i32
      %dma_start3A_102 = tpu.memref_slice %arg4[%add3A_95, %dma_start3A_100, %dma_start3A_101] : memref<4096x24x1024xf32, #tpu.memory_space<hbm>> -> memref<1x24x1024xf32, #tpu.memory_space<hbm>>
      %dma_start3A_103 = tpu.memref_squeeze %dma_start3A_102 : memref<1x24x1024xf32, #tpu.memory_space<hbm>> -> memref<24x1024xf32, #tpu.memory_space<hbm>>
      tpu.enqueue_dma source(%arg7 : memref<24x1024xf32, #tpu.memory_space<vmem>>) target(%dma_start3A_103 : memref<24x1024xf32, #tpu.memory_space<hbm>>) target_semaphore(%arg15 : memref<!tpu.dma_semaphore, #tpu.memory_space<semaphore_mem>>)
      %mul3A_104 = arith.constant 4 : i32
      %mul3A_105 = arith.muli %scan3A_52, %mul3A_104 : i32
      %add3A_106 = arith.constant 2 : i32
      %add3A_107 = arith.addi %mul3A_105, %add3A_106 : i32
      %add3A_108 = arith.constant 2 : i32
      %add3A_109 = arith.addi %add3A_107, %add3A_108 : i32
      %lt3A_110 = arith.constant 128 : i32
      %lt3A_111 = arith.cmpi slt, %add3A_109, %lt3A_110 : i32
      %convert_element_type3A_112 = arith.extui %lt3A_111 : i1 to i32
      %cond3A_113 = arith.constant 0 : i32
      %cond3A_114 = arith.cmpi ne, %convert_element_type3A_112, %cond3A_113 : i32
      scf.if %cond3A_114 {
        %ge3A = arith.constant 2 : i32
        %ge3A_158 = arith.cmpi sge, %add3A_107, %ge3A : i32
        %convert_element_type3A_159 = arith.extui %ge3A_158 : i1 to i32
        %cond3A_160 = arith.constant 0 : i32
        %cond3A_161 = arith.cmpi ne, %convert_element_type3A_159, %cond3A_160 : i32
        scf.if %cond3A_161 {
          %dma_wait3A_168 = arith.constant 0 : i32
          %dma_wait3A_169 = arith.constant 0 : i32
          %dma_wait3A_170 = tpu.memref_slice %arg4[%mul3A_2, %dma_wait3A_168, %dma_wait3A_169] : memref<4096x24x1024xf32, #tpu.memory_space<hbm>> -> memref<1x24x1024xf32, #tpu.memory_space<hbm>>
          %dma_wait3A_171 = tpu.memref_squeeze %dma_wait3A_170 : memref<1x24x1024xf32, #tpu.memory_space<hbm>> -> memref<24x1024xf32, #tpu.memory_space<hbm>>
          %dma_wait3A_172 = arith.constant 0 : i32
          %dma_wait3A_173 = arith.constant 0 : i32
          %dma_wait3A_174 = tpu.memref_slice %arg4[%mul3A_2, %dma_wait3A_172, %dma_wait3A_173] : memref<4096x24x1024xf32, #tpu.memory_space<hbm>> -> memref<1x24x1024xf32, #tpu.memory_space<hbm>>
          %dma_wait3A_175 = tpu.memref_squeeze %dma_wait3A_174 : memref<1x24x1024xf32, #tpu.memory_space<hbm>> -> memref<24x1024xf32, #tpu.memory_space<hbm>>
          tpu.wait_dma2 semaphore(%arg14 : memref<!tpu.dma_semaphore, #tpu.memory_space<semaphore_mem>>) src(%arg6 : memref<24x1024xf32, #tpu.memory_space<vmem>>) dst(%dma_wait3A_175 : memref<24x1024xf32, #tpu.memory_space<hbm>>)
        } else {
        }
        %dma_start3A_162 = arith.constant 0 : i32
        %dma_start3A_163 = tpu.memref_slice %arg5[%add3A_109, %dma_start3A_162] : memref<128x24xi32, #tpu.memory_space<vmem>> -> memref<1x24xi32, #tpu.memory_space<vmem>>
        %dma_start3A_164 = tpu.memref_squeeze %dma_start3A_163 : memref<1x24xi32, #tpu.memory_space<vmem>> -> memref<24xi32, #tpu.memory_space<vmem>>
        %dma_start3A_165 = arith.constant 0 : i32
        %dma_start3A_166 = arith.constant 0 : i32
        %dma_start3A_167 = tpu.memref_slice %arg3[%dma_start3A_165, %dma_start3A_166] : memref<2048x1024xf32, #tpu.memory_space<hbm>> -> memref<2048x1024xf32, #tpu.memory_space<hbm>>
        tpu.enqueue_indirect_dma source(%dma_start3A_167 : memref<2048x1024xf32, #tpu.memory_space<hbm>>) target(%arg6 : memref<24x1024xf32, #tpu.memory_space<vmem>>) offsets(%dma_start3A_164 : memref<24xi32, #tpu.memory_space<vmem>>) semaphore(%arg10 : memref<!tpu.dma_semaphore, #tpu.memory_space<semaphore_mem>>)
      } else {
      }
      %dma_wait3A_115 = arith.constant 0 : i32
      %dma_wait3A_116 = arith.constant 0 : i32
      %dma_wait3A_117 = tpu.memref_slice %arg5[%dma_wait3A_115, %dma_wait3A_116] : memref<128x24xi32, #tpu.memory_space<vmem>> -> memref<1x24xi32, #tpu.memory_space<vmem>>
      %dma_wait3A_118 = tpu.memref_squeeze %dma_wait3A_117 : memref<1x24xi32, #tpu.memory_space<vmem>> -> memref<24xi32, #tpu.memory_space<vmem>>
      %dma_wait3A_119 = arith.constant 0 : i32
      %dma_wait3A_120 = arith.constant 0 : i32
      %dma_wait3A_121 = tpu.memref_slice %arg3[%dma_wait3A_119, %dma_wait3A_120] : memref<2048x1024xf32, #tpu.memory_space<hbm>> -> memref<2048x1024xf32, #tpu.memory_space<hbm>>
      tpu.wait_indirect_dma semaphore(%arg12 : memref<!tpu.dma_semaphore, #tpu.memory_space<semaphore_mem>>) src(%dma_wait3A_121 : memref<2048x1024xf32, #tpu.memory_space<hbm>>) dst(%arg8 : memref<24x1024xf32, #tpu.memory_space<vmem>>)
      %add3A_122 = arith.addi %mul3A_2, %add3A_107 : i32
      %dma_start3A_123 = arith.constant 0 : i32
      %dma_start3A_124 = arith.constant 0 : i32
      %dma_start3A_125 = tpu.memref_slice %arg4[%add3A_122, %dma_start3A_123, %dma_start3A_124] : memref<4096x24x1024xf32, #tpu.memory_space<hbm>> -> memref<1x24x1024xf32, #tpu.memory_space<hbm>>
      %dma_start3A_126 = tpu.memref_squeeze %dma_start3A_125 : memref<1x24x1024xf32, #tpu.memory_space<hbm>> -> memref<24x1024xf32, #tpu.memory_space<hbm>>
      %dma_start3A_127 = arith.constant 0 : i32
      %dma_start3A_128 = arith.constant 0 : i32
      %dma_start3A_129 = tpu.memref_slice %arg4[%add3A_122, %dma_start3A_127, %dma_start3A_128] : memref<4096x24x1024xf32, #tpu.memory_space<hbm>> -> memref<1x24x1024xf32, #tpu.memory_space<hbm>>
      %dma_start3A_130 = tpu.memref_squeeze %dma_start3A_129 : memref<1x24x1024xf32, #tpu.memory_space<hbm>> -> memref<24x1024xf32, #tpu.memory_space<hbm>>
      tpu.enqueue_dma source(%arg8 : memref<24x1024xf32, #tpu.memory_space<vmem>>) target(%dma_start3A_130 : memref<24x1024xf32, #tpu.memory_space<hbm>>) target_semaphore(%arg16 : memref<!tpu.dma_semaphore, #tpu.memory_space<semaphore_mem>>)
      %mul3A_131 = arith.constant 4 : i32
      %mul3A_132 = arith.muli %scan3A_52, %mul3A_131 : i32
      %add3A_133 = arith.constant 3 : i32
      %add3A_134 = arith.addi %mul3A_132, %add3A_133 : i32
      %add3A_135 = arith.constant 2 : i32
      %add3A_136 = arith.addi %add3A_134, %add3A_135 : i32
      %lt3A_137 = arith.constant 128 : i32
      %lt3A_138 = arith.cmpi slt, %add3A_136, %lt3A_137 : i32
      %convert_element_type3A_139 = arith.extui %lt3A_138 : i1 to i32
      %cond3A_140 = arith.constant 0 : i32
      %cond3A_141 = arith.cmpi ne, %convert_element_type3A_139, %cond3A_140 : i32
      scf.if %cond3A_141 {
        %ge3A = arith.constant 2 : i32
        %ge3A_158 = arith.cmpi sge, %add3A_134, %ge3A : i32
        %convert_element_type3A_159 = arith.extui %ge3A_158 : i1 to i32
        %cond3A_160 = arith.constant 0 : i32
        %cond3A_161 = arith.cmpi ne, %convert_element_type3A_159, %cond3A_160 : i32
        scf.if %cond3A_161 {
          %dma_wait3A_168 = arith.constant 0 : i32
          %dma_wait3A_169 = arith.constant 0 : i32
          %dma_wait3A_170 = tpu.memref_slice %arg4[%mul3A_2, %dma_wait3A_168, %dma_wait3A_169] : memref<4096x24x1024xf32, #tpu.memory_space<hbm>> -> memref<1x24x1024xf32, #tpu.memory_space<hbm>>
          %dma_wait3A_171 = tpu.memref_squeeze %dma_wait3A_170 : memref<1x24x1024xf32, #tpu.memory_space<hbm>> -> memref<24x1024xf32, #tpu.memory_space<hbm>>
          %dma_wait3A_172 = arith.constant 0 : i32
          %dma_wait3A_173 = arith.constant 0 : i32
          %dma_wait3A_174 = tpu.memref_slice %arg4[%mul3A_2, %dma_wait3A_172, %dma_wait3A_173] : memref<4096x24x1024xf32, #tpu.memory_space<hbm>> -> memref<1x24x1024xf32, #tpu.memory_space<hbm>>
          %dma_wait3A_175 = tpu.memref_squeeze %dma_wait3A_174 : memref<1x24x1024xf32, #tpu.memory_space<hbm>> -> memref<24x1024xf32, #tpu.memory_space<hbm>>
          tpu.wait_dma2 semaphore(%arg15 : memref<!tpu.dma_semaphore, #tpu.memory_space<semaphore_mem>>) src(%arg7 : memref<24x1024xf32, #tpu.memory_space<vmem>>) dst(%dma_wait3A_175 : memref<24x1024xf32, #tpu.memory_space<hbm>>)
        } else {
        }
        %dma_start3A_162 = arith.constant 0 : i32
        %dma_start3A_163 = tpu.memref_slice %arg5[%add3A_136, %dma_start3A_162] : memref<128x24xi32, #tpu.memory_space<vmem>> -> memref<1x24xi32, #tpu.memory_space<vmem>>
        %dma_start3A_164 = tpu.memref_squeeze %dma_start3A_163 : memref<1x24xi32, #tpu.memory_space<vmem>> -> memref<24xi32, #tpu.memory_space<vmem>>
        %dma_start3A_165 = arith.constant 0 : i32
        %dma_start3A_166 = arith.constant 0 : i32
        %dma_start3A_167 = tpu.memref_slice %arg3[%dma_start3A_165, %dma_start3A_166] : memref<2048x1024xf32, #tpu.memory_space<hbm>> -> memref<2048x1024xf32, #tpu.memory_space<hbm>>
        tpu.enqueue_indirect_dma source(%dma_start3A_167 : memref<2048x1024xf32, #tpu.memory_space<hbm>>) target(%arg7 : memref<24x1024xf32, #tpu.memory_space<vmem>>) offsets(%dma_start3A_164 : memref<24xi32, #tpu.memory_space<vmem>>) semaphore(%arg11 : memref<!tpu.dma_semaphore, #tpu.memory_space<semaphore_mem>>)
      } else {
      }
      %dma_wait3A_142 = arith.constant 0 : i32
      %dma_wait3A_143 = arith.constant 0 : i32
      %dma_wait3A_144 = tpu.memref_slice %arg5[%dma_wait3A_142, %dma_wait3A_143] : memref<128x24xi32, #tpu.memory_space<vmem>> -> memref<1x24xi32, #tpu.memory_space<vmem>>
      %dma_wait3A_145 = tpu.memref_squeeze %dma_wait3A_144 : memref<1x24xi32, #tpu.memory_space<vmem>> -> memref<24xi32, #tpu.memory_space<vmem>>
      %dma_wait3A_146 = arith.constant 0 : i32
      %dma_wait3A_147 = arith.constant 0 : i32
      %dma_wait3A_148 = tpu.memref_slice %arg3[%dma_wait3A_146, %dma_wait3A_147] : memref<2048x1024xf32, #tpu.memory_space<hbm>> -> memref<2048x1024xf32, #tpu.memory_space<hbm>>
      tpu.wait_indirect_dma semaphore(%arg13 : memref<!tpu.dma_semaphore, #tpu.memory_space<semaphore_mem>>) src(%dma_wait3A_148 : memref<2048x1024xf32, #tpu.memory_space<hbm>>) dst(%arg9 : memref<24x1024xf32, #tpu.memory_space<vmem>>)
      %add3A_149 = arith.addi %mul3A_2, %add3A_134 : i32
      %dma_start3A_150 = arith.constant 0 : i32
      %dma_start3A_151 = arith.constant 0 : i32
      %dma_start3A_152 = tpu.memref_slice %arg4[%add3A_149, %dma_start3A_150, %dma_start3A_151] : memref<4096x24x1024xf32, #tpu.memory_space<hbm>> -> memref<1x24x1024xf32, #tpu.memory_space<hbm>>
      %dma_start3A_153 = tpu.memref_squeeze %dma_start3A_152 : memref<1x24x1024xf32, #tpu.memory_space<hbm>> -> memref<24x1024xf32, #tpu.memory_space<hbm>>
      %dma_start3A_154 = arith.constant 0 : i32
      %dma_start3A_155 = arith.constant 0 : i32
      %dma_start3A_156 = tpu.memref_slice %arg4[%add3A_149, %dma_start3A_154, %dma_start3A_155] : memref<4096x24x1024xf32, #tpu.memory_space<hbm>> -> memref<1x24x1024xf32, #tpu.memory_space<hbm>>
      %dma_start3A_157 = tpu.memref_squeeze %dma_start3A_156 : memref<1x24x1024xf32, #tpu.memory_space<hbm>> -> memref<24x1024xf32, #tpu.memory_space<hbm>>
      tpu.enqueue_dma source(%arg9 : memref<24x1024xf32, #tpu.memory_space<vmem>>) target(%dma_start3A_157 : memref<24x1024xf32, #tpu.memory_space<hbm>>) target_semaphore(%arg17 : memref<!tpu.dma_semaphore, #tpu.memory_space<semaphore_mem>>)
    }
    %scan3A_20 = arith.constant 32 : i32
    %dma_wait3A = arith.constant 0 : i32
    %dma_wait3A_21 = arith.constant 0 : i32
    %dma_wait3A_22 = tpu.memref_slice %arg4[%mul3A_2, %dma_wait3A, %dma_wait3A_21] : memref<4096x24x1024xf32, #tpu.memory_space<hbm>> -> memref<1x24x1024xf32, #tpu.memory_space<hbm>>
    %dma_wait3A_23 = tpu.memref_squeeze %dma_wait3A_22 : memref<1x24x1024xf32, #tpu.memory_space<hbm>> -> memref<24x1024xf32, #tpu.memory_space<hbm>>
    %dma_wait3A_24 = arith.constant 0 : i32
    %dma_wait3A_25 = arith.constant 0 : i32
    %dma_wait3A_26 = tpu.memref_slice %arg4[%mul3A_2, %dma_wait3A_24, %dma_wait3A_25] : memref<4096x24x1024xf32, #tpu.memory_space<hbm>> -> memref<1x24x1024xf32, #tpu.memory_space<hbm>>
    %dma_wait3A_27 = tpu.memref_squeeze %dma_wait3A_26 : memref<1x24x1024xf32, #tpu.memory_space<hbm>> -> memref<24x1024xf32, #tpu.memory_space<hbm>>
    tpu.wait_dma2 semaphore(%arg14 : memref<!tpu.dma_semaphore, #tpu.memory_space<semaphore_mem>>) src(%arg6 : memref<24x1024xf32, #tpu.memory_space<vmem>>) dst(%dma_wait3A_27 : memref<24x1024xf32, #tpu.memory_space<hbm>>)
    %dma_wait3A_28 = arith.constant 0 : i32
    %dma_wait3A_29 = arith.constant 0 : i32
    %dma_wait3A_30 = tpu.memref_slice %arg4[%mul3A_2, %dma_wait3A_28, %dma_wait3A_29] : memref<4096x24x1024xf32, #tpu.memory_space<hbm>> -> memref<1x24x1024xf32, #tpu.memory_space<hbm>>
    %dma_wait3A_31 = tpu.memref_squeeze %dma_wait3A_30 : memref<1x24x1024xf32, #tpu.memory_space<hbm>> -> memref<24x1024xf32, #tpu.memory_space<hbm>>
    %dma_wait3A_32 = arith.constant 0 : i32
    %dma_wait3A_33 = arith.constant 0 : i32
    %dma_wait3A_34 = tpu.memref_slice %arg4[%mul3A_2, %dma_wait3A_32, %dma_wait3A_33] : memref<4096x24x1024xf32, #tpu.memory_space<hbm>> -> memref<1x24x1024xf32, #tpu.memory_space<hbm>>
    %dma_wait3A_35 = tpu.memref_squeeze %dma_wait3A_34 : memref<1x24x1024xf32, #tpu.memory_space<hbm>> -> memref<24x1024xf32, #tpu.memory_space<hbm>>
    tpu.wait_dma2 semaphore(%arg15 : memref<!tpu.dma_semaphore, #tpu.memory_space<semaphore_mem>>) src(%arg7 : memref<24x1024xf32, #tpu.memory_space<vmem>>) dst(%dma_wait3A_35 : memref<24x1024xf32, #tpu.memory_space<hbm>>)
    %dma_wait3A_36 = arith.constant 0 : i32
    %dma_wait3A_37 = arith.constant 0 : i32
    %dma_wait3A_38 = tpu.memref_slice %arg4[%mul3A_2, %dma_wait3A_36, %dma_wait3A_37] : memref<4096x24x1024xf32, #tpu.memory_space<hbm>> -> memref<1x24x1024xf32, #tpu.memory_space<hbm>>
    %dma_wait3A_39 = tpu.memref_squeeze %dma_wait3A_38 : memref<1x24x1024xf32, #tpu.memory_space<hbm>> -> memref<24x1024xf32, #tpu.memory_space<hbm>>
    %dma_wait3A_40 = arith.constant 0 : i32
    %dma_wait3A_41 = arith.constant 0 : i32
    %dma_wait3A_42 = tpu.memref_slice %arg4[%mul3A_2, %dma_wait3A_40, %dma_wait3A_41] : memref<4096x24x1024xf32, #tpu.memory_space<hbm>> -> memref<1x24x1024xf32, #tpu.memory_space<hbm>>
    %dma_wait3A_43 = tpu.memref_squeeze %dma_wait3A_42 : memref<1x24x1024xf32, #tpu.memory_space<hbm>> -> memref<24x1024xf32, #tpu.memory_space<hbm>>
    tpu.wait_dma2 semaphore(%arg16 : memref<!tpu.dma_semaphore, #tpu.memory_space<semaphore_mem>>) src(%arg8 : memref<24x1024xf32, #tpu.memory_space<vmem>>) dst(%dma_wait3A_43 : memref<24x1024xf32, #tpu.memory_space<hbm>>)
    %dma_wait3A_44 = arith.constant 0 : i32
    %dma_wait3A_45 = arith.constant 0 : i32
    %dma_wait3A_46 = tpu.memref_slice %arg4[%mul3A_2, %dma_wait3A_44, %dma_wait3A_45] : memref<4096x24x1024xf32, #tpu.memory_space<hbm>> -> memref<1x24x1024xf32, #tpu.memory_space<hbm>>
    %dma_wait3A_47 = tpu.memref_squeeze %dma_wait3A_46 : memref<1x24x1024xf32, #tpu.memory_space<hbm>> -> memref<24x1024xf32, #tpu.memory_space<hbm>>
    %dma_wait3A_48 = arith.constant 0 : i32
    %dma_wait3A_49 = arith.constant 0 : i32
    %dma_wait3A_50 = tpu.memref_slice %arg4[%mul3A_2, %dma_wait3A_48, %dma_wait3A_49] : memref<4096x24x1024xf32, #tpu.memory_space<hbm>> -> memref<1x24x1024xf32, #tpu.memory_space<hbm>>
    %dma_wait3A_51 = tpu.memref_squeeze %dma_wait3A_50 : memref<1x24x1024xf32, #tpu.memory_space<hbm>> -> memref<24x1024xf32, #tpu.memory_space<hbm>>
    tpu.wait_dma2 semaphore(%arg17 : memref<!tpu.dma_semaphore, #tpu.memory_space<semaphore_mem>>) src(%arg9 : memref<24x1024xf32, #tpu.memory_space<vmem>>) dst(%dma_wait3A_51 : memref<24x1024xf32, #tpu.memory_space<hbm>>)
    return
  }
}

module attributes {stable_mosaic.version = 14 : i64} {
  func.func @_table_body(%arg0: memref<1000x128xf32, #tpu.memory_space<vmem>>, %arg1: memref<128x1024xf32, #tpu.memory_space<vmem>>, %arg2: memref<1x1024xf32, #tpu.memory_space<vmem>>, %arg3: memref<1000x1024xf32, #tpu.memory_space<vmem>>) attributes {dimension_semantics = [], scalar_prefetch = 0 : i64, scratch_operands = 0 : i64, tpu.core_type = #tpu.core_type<tc>} {
    %get3A = arith.constant 0 : index
    %get3A_0 = arith.constant 0 : index
    %get3A_1 = vector.load %arg0[%get3A, %get3A_0] : memref<1000x128xf32, #tpu.memory_space<vmem>>, vector<1000x128xf32>
    %get3A_2 = arith.constant 0 : index
    %get3A_3 = arith.constant 0 : index
    %get3A_4 = vector.load %arg1[%get3A_2, %get3A_3] : memref<128x1024xf32, #tpu.memory_space<vmem>>, vector<128x1024xf32>
    %dot_general3A = arith.constant dense<0.000000e+00> : vector<1000x1024xf32>
    %dot_general3A_5 = tpu.matmul %get3A_1, %get3A_4, %dot_general3A {dimension_numbers = #tpu.dot_dimension_numbers<[1], [0], [0], [1], [0, 0, 1, 1], [], []>, transpose_lhs_hint = false} : vector<1000x128xf32>, vector<128x1024xf32>, vector<1000x1024xf32> -> vector<1000x1024xf32>
    %get3A_6 = arith.constant 0 : index
    %get3A_7 = arith.constant 0 : index
    %get3A_8 = vector.load %arg2[%get3A_6, %get3A_7] : memref<1x1024xf32, #tpu.memory_space<vmem>>, vector<1x1024xf32>
    %add3A = vector.broadcast %get3A_8 : vector<1x1024xf32> to vector<1000x1024xf32>
    %add3A_9 = arith.addf %dot_general3A_5, %add3A : vector<1000x1024xf32>
    %reduce_max3A = arith.constant dense<0xFF800000> : vector<1000xf32>
    %reduce_max3A_10 = vector.multi_reduction <maximumf>, %add3A_9, %reduce_max3A [1] : vector<1000x1024xf32> to vector<1000xf32>
    %broadcast_in_dim3A = vector.shape_cast %reduce_max3A_10 : vector<1000xf32> to vector<1000x1xf32>
    %sub3A = vector.broadcast %broadcast_in_dim3A : vector<1000x1xf32> to vector<1000x1024xf32>
    %sub3A_11 = arith.subf %add3A_9, %sub3A : vector<1000x1024xf32>
    %exp3A = math.exp %sub3A_11 : vector<1000x1024xf32>
    %reduce_sum3A = arith.constant dense<0.000000e+00> : vector<1000xf32>
    %reduce_sum3A_12 = vector.multi_reduction <add>, %exp3A, %reduce_sum3A [1] : vector<1000x1024xf32> to vector<1000xf32>
    %broadcast_in_dim3A_13 = vector.shape_cast %reduce_sum3A_12 : vector<1000xf32> to vector<1000x1xf32>
    %log3A = math.log %broadcast_in_dim3A_13 : vector<1000x1xf32>
    %add3A_14 = arith.addf %broadcast_in_dim3A, %log3A : vector<1000x1xf32>
    %sub3A_15 = vector.broadcast %add3A_14 : vector<1000x1xf32> to vector<1000x1024xf32>
    %sub3A_16 = arith.subf %add3A_9, %sub3A_15 : vector<1000x1024xf32>
    %swap3A = arith.constant 0 : index
    %swap3A_17 = arith.constant 0 : index
    %swap3A_18 = vector.load %arg3[%swap3A, %swap3A_17] : memref<1000x1024xf32, #tpu.memory_space<vmem>>, vector<1000x1024xf32>
    tpu.vector_store %arg3[%swap3A, %swap3A_17], %sub3A_16 {strides = array<i32>} : memref<1000x1024xf32, #tpu.memory_space<vmem>>, vector<1000x1024xf32>,
    return
  }
}

module attributes {stable_mosaic.version = 14 : i64} {
  func.func @_ids_body(%arg0: memref<4096x20xi32, #tpu.memory_space<vmem>>, %arg1: memref<4096x20xi32, #tpu.memory_space<vmem>>, %arg2: memref<4096x24xi32, #tpu.memory_space<vmem>>) attributes {dimension_semantics = [], scalar_prefetch = 0 : i64, scratch_operands = 0 : i64, tpu.core_type = #tpu.core_type<tc>} {
    %get3A = arith.constant 0 : index
    %get3A_0 = arith.constant 0 : index
    %get3A_1 = vector.load %arg0[%get3A, %get3A_0] : memref<4096x20xi32, #tpu.memory_space<vmem>>, vector<4096x20xi32>
    %get3A_2 = arith.constant 0 : index
    %get3A_3 = arith.constant 0 : index
    %get3A_4 = vector.load %arg1[%get3A_2, %get3A_3] : memref<4096x20xi32, #tpu.memory_space<vmem>>, vector<4096x20xi32>
    %mul3A = arith.muli %get3A_1, %get3A_4 : vector<4096x20xi32>
    %iota3A = tpu.iota {dimensions = array<i32: 0>} : vector<4096x24xi32>
    %mul3A_5 = arith.constant 24 : i32
    %mul3A_6 = vector.broadcast %mul3A_5 : i32 to vector<4096x24xi32>
    %mul3A_7 = arith.muli %iota3A, %mul3A_6 : vector<4096x24xi32>
    %iota3A_8 = tpu.iota {dimensions = array<i32: 1>} : vector<4096x24xi32>
    %add3A = arith.addi %mul3A_7, %iota3A_8 : vector<4096x24xi32>
    %rem3A = arith.constant 1048 : i32
    %rem3A_9 = vector.broadcast %rem3A : i32 to vector<4096x24xi32>
    %rem3A_10 = arith.remsi %add3A, %rem3A_9 : vector<4096x24xi32>
    %add3A_11 = arith.constant 1000 : i32
    %add3A_12 = vector.broadcast %add3A_11 : i32 to vector<4096x24xi32>
    %add3A_13 = arith.addi %add3A_12, %rem3A_10 : vector<4096x24xi32>
    %iota3A_14 = tpu.iota {dimensions = array<i32: 1>} : vector<4096x24xi32>
    %jit3A = arith.constant 0 : i32
    %pad3A = vector.broadcast %jit3A : i32 to vector<4096x4xi32>
    %pad3A_15 = tpu.concatenate %mul3A, %pad3A in 1 : vector<4096x20xi32>, vector<4096x4xi32> -> vector<4096x24xi32>
    %eq3A = arith.constant 0 : i32
    %eq3A_16 = vector.broadcast %eq3A : i32 to vector<4096x24xi32>
    %eq3A_17 = arith.cmpi eq, %pad3A_15, %eq3A_16 : vector<4096x24xi32>
    %ge3A = arith.constant 20 : i32
    %ge3A_18 = vector.broadcast %ge3A : i32 to vector<4096x24xi32>
    %ge3A_19 = arith.cmpi sge, %iota3A_14, %ge3A_18 : vector<4096x24xi32>
    %or3A = arith.ori %eq3A_17, %ge3A_19 : vector<4096x24xi1>
    %select_n3A = arith.select %or3A, %add3A_13, %pad3A_15 : vector<4096x24xi1>, vector<4096x24xi32>
    %swap3A = arith.constant 0 : index
    %swap3A_20 = arith.constant 0 : index
    %swap3A_21 = vector.load %arg2[%swap3A, %swap3A_20] : memref<4096x24xi32, #tpu.memory_space<vmem>>, vector<4096x24xi32>
    tpu.vector_store %arg2[%swap3A, %swap3A_20], %select_n3A {strides = array<i32>} : memref<4096x24xi32, #tpu.memory_space<vmem>>, vector<4096x24xi32>,
    return
  }
}

</mosaic_0001>

<sc_bundles>
// kernel: kernel.5.cloned.1.call-start
scs
__scs_entry_jumppad:
0x0: {  	(pc) =	sbr.rel $0x88, $3  }
0x1: {  	(tag) =	ssettag $0x0;
	lr =	simm.s32 $0x1  }
0x2: {  	[smem:$0x3F9C] =	sst lr;
	_ =	strace $0xD0000000  }
0x3: {  	_ = 	snop  }
0x4: {  	_ = 	snop  }
0x5: {  	_ = 	snop  }
0x6: {  	_ = 	snop  }
0x7: {  	_ = 	snop  }
__scs_overlays_trampoline_lowered:
0x8: {  	[smem:$0x3FAB] =	sst s0  }
0x9: {  	[smem:$0x3FAC] =	sst s1  }
0xa: {  	[smem:$0x3FAD] =	sst s2  }
0xb: {  	[smem:$0x3FAE] =	sst s3  }
0xc: {  	[smem:$0x3FAF] =	sst s4  }
0xd: {  	[smem:$0x3FB0] =	sst s5  }
0xe: {  	[smem:$0x3FB1] =	sst s6  }
0xf: {  	[smem:$0x3FB2] =	sst s7  }
0x10: {  	[smem:$0x3FB3] =	sst s8  }
0x11: {  	[smem:$0x3FB4] =	sst s9;
	s0 =	simm.s32 @!p0 $0x0  }
0x12: {  	s1 =	sld [smem:$0x3F9A];
	s0 =	simm.s32 @p0 $0x1  }
0x13: {  	[smem:$0x3FB5] =	sst s0;
	s0 =	simm.s32 @!p1 $0x0  }
0x14: {  	s2 =	sld [smem:$0x3F99];
	s0 =	simm.s32 @p1 $0x1  }
0x15: {  	[smem:$0x3FB6] =	sst s0;
	s0 =	simm.s32 @!p2 $0x0  }
0x16: {  	s3 =	sld [smem:$0x3FDB];
	s0 =	simm.s32 @p2 $0x1  }
0x17: {  	s4 =	simm.s32 $0x1BF5;
	[smem:$0x3FB8] =	sst s0  }
0x18: {  	s0 =	sld [smem:$0x3F9B];
	_ =	swait.ge [sflag:s4], $0x0  }
0x19: {  	s7 =	sld [smem:$0x3F9C]  }
0x1a: {  	s8 =	sadd.s32 $0xFFFFE003, lr  }
0x1b: {  	s9 =	sadd.s32 $0xFFFFFEF7, lr;
	s5 =	simm.s32 $0xFFFFFFFF;
	p2 =	slt.u32 s8, $0xFFFFF086  }
0x1c: {  	p1 =	slt.u32 s9, $0xF7A;
	s5 =	simm.s32 @!p2 $0x0  }
0x1d: {  	s5 =	simm.s32 @p1 $0x1;
	p0 =	seq.s32 s7, s2  }
0x1e: {  	s7 =	smul.u32 @!p0 $0xF7A, s2;
	p2 =	seq.s32 @!p0 s5, $0x0  }
0x1f: {  	s9 =	smul.u32 $0xF7A, s1;
	s8 =	simm.s32 @!p0 $0x1BF5;
	p2 =	por !p2, p0  }
0x20: {  	[sflag:s8] =	ssyncset.s32 @!p0 $0xFFFFF086;
	s6 =	sadd.s32 @!p0 s3, s7;
	s7 =	simm.s32 @!p0 $0x108  }
0x21: {  	s3 =	sadd.s32 s3, s9;
	s6 =	sadd.s32 @!p0 $0x88, s6;
	s7 =	simm.s32 @p2 $0x1082  }
0x22: {  	[simem:s7], [sflag:s8] =	dma.local @!p0 [hbm:s6], $0xF7A  }
0x23: {  	s9 =	sor.u32 $0xD0000000, s2;
	s6 =	simm.s32 $0x108;
	_ =	swait.ge @!p0 [sflag:s8], $0x0  }
0x24: {  	s3 =	sadd.s32 $0x88, s3;
	s6 =	simm.s32 @!p1 $0x1082;
	[sflag:s4] =	ssyncset.s32 $0xFFFFF086  }
0x25: {  	[simem:s6], [sflag:s4] =	dma.local [hbm:s3], $0xF7A  }
0x26: {  	[smem:$0x3F9C] =	sst s1;
	(tag) =	ssettag s2;
	_ =	strace s9  }
0x27: {  	s1 =	sld [smem:$0x3FAC]  }
0x28: {  	s2 =	sld [smem:$0x3FAD]  }
0x29: {  	s4 =	sld [smem:$0x3FAF]  }
0x2a: {  	p0 =	seq.s32 s5, $0x0;
	s5 =	sld [smem:$0x3FB0]  }
0x2b: {  	s6 =	sld [smem:$0x3FB1]  }
0x2c: {  	s7 =	sld [smem:$0x3FB2]  }
0x2d: {  	s3 =	simm.s32 $0x108;
	s8 =	sld [smem:$0x3FB3]  }
0x2e: {  	s3 =	simm.s32 @!p0 $0x1082;
	s9 =	sld [smem:$0x3FB4]  }
0x2f: {  	lr =	sadd.s32 s0, s3;
	s0 =	sld [smem:$0x3FAB]  }
0x30: {  	s3 =	sld [smem:$0x3FAE]  }
0x31: {  	[smem:$0x3FB7] =	sst s10  }
0x32: {  	s10 =	sld [smem:$0x3FB5];
	_ =	sdelay $0x3  }
0x33: {  	p0 =	seq.s32 s10, $0x1;
	s10 =	sld [smem:$0x3FB7];
	_ =	sdelay $0x3  }
0x34: {  	[smem:$0x3FB7] =	sst s10  }
0x35: {  	s10 =	sld [smem:$0x3FB6];
	_ =	sdelay $0x3  }
0x36: {  	p1 =	seq.s32 s10, $0x1;
	s10 =	sld [smem:$0x3FB7];
	_ =	sdelay $0x3  }
0x37: {  	[smem:$0x3FB7] =	sst s10  }
0x38: {  	s10 =	sld [smem:$0x3FB8]  }
0x39: {  	_ = 	snop;
	(pc) =	sbr.ind lr, $3  }
0x3a: {  	_ = 	snop  }
0x3b: {  	_ = 	snop  }
0x3c: {  	p2 =	seq.s32 s10, $0x1;
	s10 =	sld [smem:$0x3FB7]  }
0x3d: {  	_ =	shalt  }
0x3e: {  	_ =	shalt  }
0x3f: {  	_ =	shalt  }
0x40: {  	_ =	shalt  }
0x41: {  	_ =	shalt  }
0x42: {  	_ =	shalt  }
0x43: {  	_ =	shalt  }
0x44: {  	_ =	shalt  }
0x45: {  	_ =	shalt  }
0x46: {  	_ =	shalt  }
0x47: {  	_ =	shalt  }
0x48: {  	_ =	shalt  }
0x49: {  	_ =	shalt  }
0x4a: {  	_ =	shalt  }
0x4b: {  	_ =	shalt  }
0x4c: {  	_ =	shalt  }
0x4d: {  	_ =	shalt  }
0x4e: {  	_ =	shalt  }
0x4f: {  	_ =	shalt  }
0x50: {  	_ =	shalt  }
0x51: {  	_ =	shalt  }
0x52: {  	_ =	shalt  }
0x53: {  	_ =	shalt  }
0x54: {  	_ =	shalt  }
0x55: {  	_ =	shalt  }
0x56: {  	_ =	shalt  }
0x57: {  	_ =	shalt  }
0x58: {  	_ =	shalt  }
0x59: {  	_ =	shalt  }
0x5a: {  	_ =	shalt  }
0x5b: {  	_ =	shalt  }
0x5c: {  	_ =	shalt  }
0x5d: {  	_ =	shalt  }
0x5e: {  	_ =	shalt  }
0x5f: {  	_ =	shalt  }
0x60: {  	_ =	shalt  }
0x61: {  	_ =	shalt  }
0x62: {  	_ =	shalt  }
0x63: {  	_ =	shalt  }
0x64: {  	_ =	shalt  }
0x65: {  	_ =	shalt  }
0x66: {  	_ =	shalt  }
0x67: {  	_ =	shalt  }
0x68: {  	_ =	shalt  }
0x69: {  	_ =	shalt  }
0x6a: {  	_ =	shalt  }
0x6b: {  	_ =	shalt  }
0x6c: {  	_ =	shalt  }
0x6d: {  	_ =	shalt  }
0x6e: {  	_ =	shalt  }
0x6f: {  	_ =	shalt  }
0x70: {  	_ =	shalt  }
0x71: {  	_ =	shalt  }
0x72: {  	_ =	shalt  }
0x73: {  	_ =	shalt  }
0x74: {  	_ =	shalt  }
0x75: {  	_ =	shalt  }
0x76: {  	_ =	shalt  }
0x77: {  	_ =	shalt  }
0x78: {  	_ =	shalt  }
0x79: {  	_ =	shalt  }
0x7a: {  	_ =	shalt  }
0x7b: {  	_ =	shalt  }
0x7c: {  	_ =	shalt  }
0x7d: {  	_ =	shalt  }
0x7e: {  	_ =	shalt  }
0x7f: {  	_ =	shalt  }
0x80: {  	_ =	shalt  }
0x81: {  	_ =	shalt  }
0x82: {  	_ =	shalt  }
0x83: {  	_ =	shalt  }
0x84: {  	_ =	shalt  }
0x85: {  	_ =	shalt  }
0x86: {  	_ =	shalt  }
0x87: {  	_ =	shalt  }
.Lfunc_end0:
.L_simem_size_0:
called_computation.1_lowered:
.L_overlay_start_0:
0x88: {  	s2 =	sld [smem:$0x3FD9]  }
0x89: {  	s3 =	sld [smem:$0x3FFE];
	_ =	sdelay $0x1  }
0x8a: {  	s1 =	srdreg.scid  }
0x8b: {  	s0 =	sand.u32 $0x1, s1  }
0x8c: {  	s17 =	sshll.u32 s0, $0xA;
	s2 =	sadd.s32 s3, s2  }
0x8d: {  	s2 =	sadd.s32 s2, s17  }
0x8e: {  	[smem:$0x3FC3] =	sst s2  }
0x8f: {  	_ = 	snop  }
0x90: {  	s2 =	sld [smem:$0x3FD0];
	(tm) =	ssettm $0x1  }
0x91: {  	s18 =	sld [smem:$0x3FFB];
	_ =	sdelay $0x3  }
0x92: {  	_ =	strace s18  }
0x93: {  	s3 =	sld [smem:$0x3FFC];
	_ =	sdelay $0x3  }
0x94: {  	_ =	strace s3  }
0x95: {  	s3 =	sld [smem:$0x3FFD];
	_ =	sdelay $0x3  }
0x96: {  	_ =	strace s3  }
0x97: {  	_ =	strace $0x8FFFFFFF  }
0x98: {  	s19 =	sld [smem:$0x3FDB];
	_ =	sdelay $0x1  }
0x99: {  	s4 =	simm.s32 $_scs_section_size  }
0x9a: {  	s5 =	simm.s32 $_size__tile_overlayer_lowered;
	s6 =	simm.s32 $_tile_overlayer_lowered  }
0x9b: {  	s22 =	simm.s32 $0x1BFF;
	s21 =	sshll.u32 s6, $0x1;
	s3 =	sadd.s32 s4, s19  }
0x9c: {  	s7 =	simm.s32 $0x0;
	s20 =	sshll.u32 s5, $0x1;
	s5 =	sadd.s32 s21, s3  }
0x9d: {  	[timem:s7], [sflag:s22] =	dma.local [hbm:s5], s20  }
0x9e: {  	_ =	swait.ge [sflag:s22], s20  }
0x9f: {  	s4 =	ssub.s32 $0x0, s20;
	[sflag:s22] =	ssyncset.done $0x0  }
0xa0: {  	[sflag:s22] =	ssyncadd.s32 s4;
	_ =	sdelay $0x1  }
0xa1: {  	s23 =	simm.s32 $0x1B8B  }
0xa2: {  	_ =	swait.ge [sflag:s23], $0x1  }
0xa3: {  	[sflag:s23] =	ssyncset.done $0x0  }
0xa4: {  	s25 =	simm.s32 $0x1B8E;
	s24 =	sld [smem:$0x3FFE];
	[sflag:s23] =	ssyncadd.s32 $0xFFFFFFFF  }
0xa5: {  	s26 =	simm.s32 $execute0_lowered;
	[smem:$0x3FD2] =	sst s25  }
0xa6: {  	s5 =	sshll.u32 s26, $0x1;
	_ =	strace $0x80000046;
	[dreg:$0x1] =	wrdreg $0xFFFFFFFF  }
0xa7: {  	s28 =	simm.s32 $_size_execute0_lowered;
	s3 =	sadd.s32 s3, s5;
	[dreg:$0x0] =	wrdreg $0x0  }
0xa8: {  	s5 =	sshll.u32 s28, $0x1;
	[dreg:$0x2] =	wrdreg s3  }
0xa9: {  	[dreg:$0x3] =	wrdreg s5  }
0xaa: {  	[dreg:$0x4] =	wrdreg $0xC0  }
0xab: {  	_ =	task [dreg:s7], $0x5FFFF  }
0xac: {  	[dreg:$0x1] =	wrdreg $0xFFFFFFFF  }
0xad: {  	[dreg:$0x0] =	wrdreg $0x60  }
0xae: {  	[dreg:$0x2] =	wrdreg s24  }
0xaf: {  	[dreg:$0x3] =	wrdreg s2  }
0xb0: {  	[dreg:$0x4] =	wrdreg $0x9  }
0xb1: {  	_ =	task.clear_ibuf [dreg:s7], $0x5FFFF;
	_ =	strace $0x90000046  }
0xb2: {  	s29 =	simm.s32 $0x9;
	_ =	strace $0x80000048  }
0xb3: {  	_ =	swait.ge [sflag:s29], $0x1  }
0xb4: {  	[sflag:s29] =	ssyncadd.s32 $0xFFFFFFFF  }
0xb5: {  	_ =	strace $0x90000048  }
0xb6: {  	_ =	sfence  }
0xb7: {  	s30 =	sld [smem:$0x0];
	_ =	sdelay $0x2  }
0xb8: {  	s31 =	sshll.u32 s1, $0xD;
	s1 =	sshrl.u32 s1, $0x2  }
0xb9: {  	s3 =	sand.u32 $0x4000, s31;
	s1 =	sadd.s32 s1, s30  }
0xba: {  	s0 =	sor.u32 s3, s0;
	s1 =	sshll.u32 s1, $0x11  }
0xbb: {  	s0 =	sor.u32 s1, s0  }
0xbc: {  	s0 =	sadd.s32 $0x8F2B, s0  }
0xbd: {  	[sflag:s0] =	ssyncadd.remote.s32 $0x1  }
0xbe: {  	_ =	sfence.sel $0xFFFF  }
0xbf: {  	[dreg:$0x0] =	wrdreg $0xFFFFFFFF;
	(pc) =	sbr.abs _section_cstart, $3  }
0xc0: {  	[dreg:$0x1] =	wrdreg $0xFFFFFFFF  }
0xc1: {  	_ =	task.clear_ibuf [dreg:s7], $0x2FFFF;
	_ =	strace $0x9FFFFFFF  }
0xc2: {  	(tm) =	ssettm $0x7FFFFFFF  }
0xc3: {  	_ =	shalt  }
tec
execute0_lowered:
.L_overlay_start_1:
0x0: {  	(tag) =	ssettag $0x1  }
0x1: {  	s0 =	srdreg.scid;
	s1 =	rddreg [dreg:$0x0]  }
0x2: {  	s9 =	stileid.u32;
	s2 =	rddreg [dreg:$0x1]  }
0x3: {  	s3 =	simm.s32 $0x0;
	s12 =	simm.s32 $0x4000;
	s24 =	simm.s32 $0xA000  }
0x4: {  	s13 =	simm.s32 $0x10000;
	s28 =	simm.s32 $0x16000;
	s29 =	simm.s32 $0x16800  }
0x5: {  	s30 =	simm.s32 $0x17000;
	s31 =	simm.s32 $0x17800;
	s11 =	simm.s32 $0x1A000  }
0x6: {  	s14 =	simm.s32 $0x1B000;
	s15 =	simm.s32 $0x1B800;
	s16 =	simm.s32 $0x2  }
0x7: {  	s17 =	simm.s32 $0x3;
	s18 =	simm.s32 $0x4;
	s19 =	simm.s32 $0x5  }
0x8: {  	s20 =	simm.s32 $0x6;
	s23 =	simm.s32 $0x0;
	s0 =	sand.u32 $0x1, s0  }
0x9: {  	s4 =	sshll.u32 s9, $0x8;
	[smem:$0x7FF] =	sst s3;
	s9 =	smul.u32 $0xC0000, s9  }
0xa: {  	s5 =	sshll.u32 s0, $0x7;
	s6 =	ssub.s32 $0x2, s0;
	_ =	strace $0x80000047  }
0xb: {  	s0 =	smul.u32 $0x60000, s0;
	s4 =	sor.u32 s5, s4;
	s7 =	sshrl.u32 s6, $0x1  }
0xc: {  	s5 =	sshll.u32 s4, $0x4;
	s8 =	ssub.s32 s6, s7;
	s4 =	smul.u32 $0xC00, s4  }
0xd: {  	s6 =	sadd.s32 $0x200, s2;
	s7 =	sadd.s32 $0x300, s2;
	s5 =	sadd.s32 s5, s1  }
0xe: {  	s1 =	sadd.s32 $0x10E00, s1;
	s26 =	smax.u32 s8, $0x1;
	s8 =	simm.s32 $0x1A800  }
.Ltmp0:
0xf: {  	s5 =	sadd.s32 $0xE00, s5;
	s4 =	sadd.s32 s4, s1;
	(pc) =	sbr.rel .LBB2_1-.Ltmp0, $4  }
0x10: {  	s1 =	sadd.s32 s9, s1;
	[dreg:$0x5] =	wrdreg s26;
	s26 =	simm.s32 $0x1  }
0x11: {  	v2 =	vlaneseq.u32;
	s9 =	simm.s32 $0x19800;
	[dreg:$0x3] =	wrdreg s5;
	s5 =	sadd.s32 $0x100, s2  }
0x12: {  	vm0 =	vmmov $0xffff;
	v1 =	vshrl.u32 v2, $0x3;
	s4 =	sadd.s32 $0x5E800, s4;
	s10 =	sadd.s32 s0, s1;
	s1 =	simm.s32 $0x18000  }
0x13: {  	v0 =	vand.u32 $0x7, v2;
	v2 =	vor.u32 $0x8, v2;
	v1 =	vmul.u32 $0x8, v1;
	s0 =	simm.s32 $0x18800;
	[dreg:$0x4] =	wrdreg s4;
	s4 =	simm.s32 $0x19000  }
.LBB2_6:
0x14: {  	_ =	swait.ge [sflag:s19], $0x6000  }
0x15: {  	[sflag:s19] =	ssyncset.done $0x0  }
0x16: {  	[sflag:s19] =	ssyncadd.s32 $0xFFFFA000  }
0x17: {  	_ =	swait.ge [sflag:s20], $0x6000  }
0x18: {  	[sflag:s20] =	ssyncset.done $0x0  }
0x19: {  	s21 =	simm.s32 $0x7;
	[sflag:s20] =	ssyncadd.s32 $0xFFFFA000  }
0x1a: {  	_ =	swait.ge [sflag:s21], $0x6000  }
0x1b: {  	[sflag:s21] =	ssyncset.done $0x0  }
0x1c: {  	s22 =	simm.s32 $0x8;
	[sflag:s21] =	ssyncadd.s32 $0xFFFFA000  }
0x1d: {  	_ =	swait.ge [sflag:s22], $0x6000  }
0x1e: {  	s23 =	rddreg [dreg:$0x6]  }
0x1f: {  	s25 =	rddreg [dreg:$0x5];
	s23 =	sadd.s32 $0x1, s23  }
0x20: {  	p0 =	sne.s32 s23, s25  }
.Ltmp1:
0x21: {  	_ = 	snop;
	(pc) =	sbr.rel @!p0 .LBB2_7-.Ltmp1, $3  }
0x22: {  	_ =	sdelay $0x1  }
0x23: {  	[sflag:s22] =	ssyncset.done $0x0  }
0x24: {  	[sflag:s22] =	ssyncadd.s32 $0xFFFFA000  }
.LBB2_1:
0x25: {  	[dreg:$0x6] =	wrdreg s23  }
0x26: {  	s21 =	rddreg [dreg:$0x3];
	s23 =	simm.s32 $0x9  }
0x27: {  	[tilespmem:s3], [sflag:$0x9] =	stream.linear.gather [hbm4b:s21+s3], $0x4000, $0x38;
	[tilespmem:$0x1C000] =	vst v63  }
0x28: {  	_ =	swait.ge [sflag:s23], $0x4000  }
0x29: {  	[sflag:s23] =	ssyncset.done $0x0  }
0x2a: {  	[sflag:s23] =	ssyncadd.s32 $0xFFFFC000  }
0x2b: {  	v3 =	vld [tilespmem:$0x0];
	_ =	sdelay $0x4  }
0x2c: {  	v4 =	vshll.u32 v3, $0x3  }
0x2d: {  	v3 =	vand.u32 $0x7, v3;
	v4 =	vand.u32 $0xFFFFFFC0, v4  }
0x2e: {  	v3 =	vor.u32 v3, v4  }
0x2f: {  	v4 =	vperm.xlane v3, v0;
	_ =	sdelay $0x1  }
0x30: {  	v4 =	vadd.s32 v1, v4;
	_ =	sdelay $0x4  }
0x31: {  	[tilespmem:s12], [sflag:$0x1] =	stream.indirect_vreg.gather [hbm4b:s2+s3], $0x80, v4, vm0, $0xb8;
	[tilespmem:$0x1C000] =	vst v63  }
0x32: {  	s25 =	simm.s32 $0x4800;
	v3 =	vperm.xlane v3, v2  }
0x33: {  	[tilespmem:s25], [sflag:$0x1] =	stream.indirect_vreg.gather [hbm4b:s5+s3], $0x80, v4, vm0, $0xb8;
	[tilespmem:$0x1C000] =	vst v63  }
0x34: {  	s22 =	simm.s32 $0x5000;
	v3 =	vadd.s32 v1, v3  }
0x35: {  	[tilespmem:s22], [sflag:$0x1] =	stream.indirect_vreg.gather [hbm4b:s6+s3], $0x80, v4, vm0, $0xb8;
	[tilespmem:$0x1C000] =	vst v63  }
0x36: {  	s23 =	simm.s32 $0x5800  }
0x37: {  	[tilespmem:s23], [sflag:$0x1] =	stream.indirect_vreg.gather [hbm4b:s7+s3], $0x80, v4, vm0, $0xb8;
	[tilespmem:$0x1C000] =	vst v63  }
0x38: {  	s25 =	simm.s32 $0x6000  }
0x39: {  	[tilespmem:s25], [sflag:$0x1] =	stream.indirect_vreg.gather [hbm4b:s2+s3], $0x80, v3, vm0, $0xb8;
	[tilespmem:$0x1C000] =	vst v63  }
0x3a: {  	s22 =	simm.s32 $0x6800  }
0x3b: {  	[tilespmem:s22], [sflag:$0x1] =	stream.indirect_vreg.gather [hbm4b:s5+s3], $0x80, v3, vm0, $0xb8;
	[tilespmem:$0x1C000] =	vst v63  }
0x3c: {  	s23 =	simm.s32 $0x7000  }
0x3d: {  	[tilespmem:s23], [sflag:$0x1] =	stream.indirect_vreg.gather [hbm4b:s6+s3], $0x80, v3, vm0, $0xb8;
	[tilespmem:$0x1C000] =	vst v63  }
0x3e: {  	s25 =	simm.s32 $0x7800  }
0x3f: {  	[tilespmem:s25], [sflag:$0x1] =	stream.indirect_vreg.gather [hbm4b:s7+s3], $0x80, v3, vm0, $0xb8;
	[tilespmem:$0x1C000] =	vst v63  }
0x40: {  	v3 =	vld.msk [tilespmem:$0x10], $0xff;
	_ =	sdelay $0x4  }
0x41: {  	v61 =	vshll.u32 v3, $0x3  }
0x42: {  	v3 =	vand.u32 $0x7, v3;
	v4 =	vand.u32 $0xFFFFFFC0, v61  }
0x43: {  	v3 =	vor.u32 v3, v4  }
0x44: {  	v3 =	vperm.xlane v3, v0;
	_ =	sdelay $0x1  }
0x45: {  	v3 =	vadd.s32 v1, v3;
	_ =	sdelay $0x3  }
0x46: {  	s22 =	simm.s32 $0x8000  }
0x47: {  	[tilespmem:s22], [sflag:$0x1] =	stream.indirect_vreg.gather [hbm4b:s2+s3], $0x80, v3, vm0, $0xb8;
	[tilespmem:$0x1C000] =	vst v63  }
0x48: {  	s23 =	simm.s32 $0x8800  }
0x49: {  	[tilespmem:s23], [sflag:$0x1] =	stream.indirect_vreg.gather [hbm4b:s5+s3], $0x80, v3, vm0, $0xb8;
	[tilespmem:$0x1C000] =	vst v63  }
0x4a: {  	s25 =	simm.s32 $0x9000  }
0x4b: {  	[tilespmem:s25], [sflag:$0x1] =	stream.indirect_vreg.gather [hbm4b:s6+s3], $0x80, v3, vm0, $0xb8;
	[tilespmem:$0x1C000] =	vst v63  }
0x4c: {  	s22 =	simm.s32 $0x9800  }
0x4d: {  	[tilespmem:s22], [sflag:$0x1] =	stream.indirect_vreg.gather [hbm4b:s7+s3], $0x80, v3, vm0, $0xb8;
	[tilespmem:$0x1C000] =	vst v63  }
0x4e: {  	v3 =	vld [tilespmem:$0x80];
	_ =	sdelay $0x4  }
0x4f: {  	v62 =	vshll.u32 v3, $0x3  }
0x50: {  	v3 =	vand.u32 $0x7, v3;
	v4 =	vand.u32 $0xFFFFFFC0, v62  }
0x51: {  	v3 =	vor.u32 v3, v4  }
0x52: {  	v4 =	vperm.xlane v3, v0;
	_ =	sdelay $0x1  }
0x53: {  	v4 =	vadd.s32 v1, v4;
	_ =	sdelay $0x4  }
0x54: {  	[tilespmem:s24], [sflag:$0x2] =	stream.indirect_vreg.gather [hbm4b:s2+s3], $0x80, v4, vm0, $0xb8;
	[tilespmem:$0x1C000] =	vst v63  }
0x55: {  	s23 =	simm.s32 $0xA800;
	v3 =	vperm.xlane v3, v2  }
0x56: {  	[tilespmem:s23], [sflag:$0x2] =	stream.indirect_vreg.gather [hbm4b:s5+s3], $0x80, v4, vm0, $0xb8;
	[tilespmem:$0x1C000] =	vst v63  }
0x57: {  	s25 =	simm.s32 $0xB000;
	v3 =	vadd.s32 v1, v3  }
0x58: {  	[tilespmem:s25], [sflag:$0x2] =	stream.indirect_vreg.gather [hbm4b:s6+s3], $0x80, v4, vm0, $0xb8;
	[tilespmem:$0x1C000] =	vst v63  }
0x59: {  	s22 =	simm.s32 $0xB800  }
0x5a: {  	[tilespmem:s22], [sflag:$0x2] =	stream.indirect_vreg.gather [hbm4b:s7+s3], $0x80, v4, vm0, $0xb8;
	[tilespmem:$0x1C000] =	vst v63  }
0x5b: {  	s23 =	simm.s32 $0xC000  }
0x5c: {  	[tilespmem:s23], [sflag:$0x2] =	stream.indirect_vreg.gather [hbm4b:s2+s3], $0x80, v3, vm0, $0xb8;
	[tilespmem:$0x1C000] =	vst v63  }
0x5d: {  	s25 =	simm.s32 $0xC800  }
0x5e: {  	[tilespmem:s25], [sflag:$0x2] =	stream.indirect_vreg.gather [hbm4b:s5+s3], $0x80, v3, vm0, $0xb8;
	[tilespmem:$0x1C000] =	vst v63  }
0x5f: {  	s22 =	simm.s32 $0xD000  }
0x60: {  	[tilespmem:s22], [sflag:$0x2] =	stream.indirect_vreg.gather [hbm4b:s6+s3], $0x80, v3, vm0, $0xb8;
	[tilespmem:$0x1C000] =	vst v63  }
0x61: {  	s23 =	simm.s32 $0xD800  }
0x62: {  	[tilespmem:s23], [sflag:$0x2] =	stream.indirect_vreg.gather [hbm4b:s7+s3], $0x80, v3, vm0, $0xb8;
	[tilespmem:$0x1C000] =	vst v63  }
0x63: {  	v3 =	vld.msk [tilespmem:$0x90], $0xff;
	_ =	sdelay $0x4  }
0x64: {  	v63 =	vshll.u32 v3, $0x3  }
0x65: {  	v3 =	vand.u32 $0x7, v3;
	v4 =	vand.u32 $0xFFFFFFC0, v63  }
0x66: {  	v3 =	vor.u32 v3, v4  }
0x67: {  	v3 =	vperm.xlane v3, v0;
	_ =	sdelay $0x1  }
0x68: {  	v3 =	vadd.s32 v1, v3;
	_ =	sdelay $0x3  }
0x69: {  	s25 =	simm.s32 $0xE000  }
0x6a: {  	[tilespmem:s25], [sflag:$0x2] =	stream.indirect_vreg.gather [hbm4b:s2+s3], $0x80, v3, vm0, $0xb8;
	[tilespmem:$0x1C000] =	vst v63  }
0x6b: {  	s22 =	simm.s32 $0xE800  }
0x6c: {  	[tilespmem:s22], [sflag:$0x2] =	stream.indirect_vreg.gather [hbm4b:s5+s3], $0x80, v3, vm0, $0xb8;
	[tilespmem:$0x1C000] =	vst v63  }
.Ltmp2:
0x6d: {  	_ = 	snop;
	(pc) =	sbr.rel .LBB2_2-.Ltmp2, $4  }
0x6e: {  	s23 =	simm.s32 $0xF000  }
0x6f: {  	[tilespmem:s23], [sflag:$0x2] =	stream.indirect_vreg.gather [hbm4b:s6+s3], $0x80, v3, vm0, $0xb8;
	[tilespmem:$0x1C000] =	vst v63  }
0x70: {  	s21 =	simm.s32 $0x180;
	s25 =	simm.s32 $0xF800;
	s22 =	simm.s32 $0x0  }
0x71: {  	[tilespmem:s25], [sflag:$0x2] =	stream.indirect_vreg.gather [hbm4b:s7+s3], $0x80, v3, vm0, $0xb8;
	[tilespmem:$0x1C000] =	vst v63  }
.LBB2_4:
0x72: {  	_ =	swait.ge [sflag:s17], $0x6000  }
0x73: {  	[sflag:s17] =	ssyncset.done $0x0  }
0x74: {  	s25 =	rddreg [dreg:$0x4];
	[sflag:s17] =	ssyncadd.s32 $0xFFFFA000  }
0x75: {  	[hbm4b:s25+s3] =	stream.linear.scatter [tilespmem:s13], [sflag:$0x7], $0x6000, $0x38;
	[tilespmem:$0x1C000] =	vst v63  }
.LBB2_5:
0x76: {  	s22 =	sadd.s32 $0x3000, s22  }
0x77: {  	p0 =	sne.s32 s22, $0x60000  }
.Ltmp3:
0x78: {  	_ = 	snop;
	(pc) =	sbr.rel @!p0 .LBB2_6-.Ltmp3, $4  }
0x79: {  	_ =	swait.ge [sflag:s18], $0x6000  }
0x7a: {  	[sflag:s18] =	ssyncset.done $0x0  }
0x7b: {  	s23 =	sadd.s32 $0x2400, s23;
	s21 =	sadd.s32 $0x200, s21;
	[sflag:s18] =	ssyncadd.s32 $0xFFFFA000  }
0x7c: {  	[hbm4b:s23+s3] =	stream.linear.scatter [tilespmem:s28], [sflag:$0x8], $0x6000, $0x38;
	[tilespmem:$0x1C000] =	vst v63  }
.LBB2_2:
0x7d: {  	p0 =	seq.s32 s22, $0x0  }
0x7e: {  	s23 =	simm.s32 @!p0 $0x7  }
0x7f: {  	_ =	swait.ge @!p0 [sflag:s23], $0x6000  }
0x80: {  	[sflag:s23] =	ssyncset.done @!p0 $0x0  }
0x81: {  	[sflag:s23] =	ssyncadd.s32 @!p0 $0xFFFFA000  }
0x82: {  	v3 =	vld [tilespmem:s21+$0xFFFFFF80];
	_ =	sdelay $0x4  }
0x83: {  	v4 =	vshll.u32 v3, $0x3  }
0x84: {  	v3 =	vand.u32 $0x7, v3;
	v4 =	vand.u32 $0xFFFFFFC0, v4  }
0x85: {  	v3 =	vor.u32 v3, v4  }
0x86: {  	v4 =	vperm.xlane v3, v0;
	_ =	sdelay $0x1  }
0x87: {  	v4 =	vadd.s32 v1, v4;
	_ =	sdelay $0x4  }
0x88: {  	[tilespmem:s13], [sflag:$0x3] =	stream.indirect_vreg.gather [hbm4b:s2+s3], $0x80, v4, vm0, $0xb8;
	[tilespmem:$0x1C000] =	vst v63  }
0x89: {  	s25 =	simm.s32 $0x10800;
	v3 =	vperm.xlane v3, v2  }
0x8a: {  	[tilespmem:s25], [sflag:$0x3] =	stream.indirect_vreg.gather [hbm4b:s5+s3], $0x80, v4, vm0, $0xb8;
	[tilespmem:$0x1C000] =	vst v63  }
0x8b: {  	v3 =	vadd.s32 v1, v3;
	s25 =	simm.s32 $0x11000  }
0x8c: {  	[tilespmem:s25], [sflag:$0x3] =	stream.indirect_vreg.gather [hbm4b:s6+s3], $0x80, v4, vm0, $0xb8;
	[tilespmem:$0x1C000] =	vst v63  }
0x8d: {  	s25 =	simm.s32 $0x11800  }
0x8e: {  	[tilespmem:s25], [sflag:$0x3] =	stream.indirect_vreg.gather [hbm4b:s7+s3], $0x80, v4, vm0, $0xb8;
	[tilespmem:$0x1C000] =	vst v63  }
0x8f: {  	s25 =	simm.s32 $0x12000  }
0x90: {  	[tilespmem:s25], [sflag:$0x3] =	stream.indirect_vreg.gather [hbm4b:s2+s3], $0x80, v3, vm0, $0xb8;
	[tilespmem:$0x1C000] =	vst v63  }
0x91: {  	s25 =	simm.s32 $0x12800  }
0x92: {  	[tilespmem:s25], [sflag:$0x3] =	stream.indirect_vreg.gather [hbm4b:s5+s3], $0x80, v3, vm0, $0xb8;
	[tilespmem:$0x1C000] =	vst v63  }
0x93: {  	s25 =	simm.s32 $0x13000  }
0x94: {  	[tilespmem:s25], [sflag:$0x3] =	stream.indirect_vreg.gather [hbm4b:s6+s3], $0x80, v3, vm0, $0xb8;
	[tilespmem:$0x1C000] =	vst v63  }
0x95: {  	s25 =	simm.s32 $0x13800  }
0x96: {  	[tilespmem:s25], [sflag:$0x3] =	stream.indirect_vreg.gather [hbm4b:s7+s3], $0x80, v3, vm0, $0xb8;
	[tilespmem:$0x1C000] =	vst v63  }
0x97: {  	v3 =	vld.msk [tilespmem:s21+$0xFFFFFF90], $0xff;
	_ =	sdelay $0x4  }
0x98: {  	v61 =	vshll.u32 v3, $0x3  }
0x99: {  	v3 =	vand.u32 $0x7, v3;
	v4 =	vand.u32 $0xFFFFFFC0, v61  }
0x9a: {  	v3 =	vor.u32 v3, v4  }
0x9b: {  	v3 =	vperm.xlane v3, v0;
	_ =	sdelay $0x1  }
0x9c: {  	v3 =	vadd.s32 v1, v3;
	_ =	sdelay $0x3  }
0x9d: {  	s25 =	simm.s32 $0x14000  }
0x9e: {  	[tilespmem:s25], [sflag:$0x3] =	stream.indirect_vreg.gather [hbm4b:s2+s3], $0x80, v3, vm0, $0xb8;
	[tilespmem:$0x1C000] =	vst v63  }
0x9f: {  	s25 =	simm.s32 $0x14800  }
0xa0: {  	[tilespmem:s25], [sflag:$0x3] =	stream.indirect_vreg.gather [hbm4b:s5+s3], $0x80, v3, vm0, $0xb8;
	[tilespmem:$0x1C000] =	vst v63  }
0xa1: {  	s25 =	simm.s32 $0x15000  }
0xa2: {  	[tilespmem:s25], [sflag:$0x3] =	stream.indirect_vreg.gather [hbm4b:s6+s3], $0x80, v3, vm0, $0xb8;
	[tilespmem:$0x1C000] =	vst v63  }
0xa3: {  	s25 =	simm.s32 $0x15800  }
0xa4: {  	[tilespmem:s25], [sflag:$0x3] =	stream.indirect_vreg.gather [hbm4b:s7+s3], $0x80, v3, vm0, $0xb8;
	[tilespmem:$0x1C000] =	vst v63  }
0xa5: {  	_ =	swait.ge [sflag:s26], $0x6000  }
0xa6: {  	[sflag:s26] =	ssyncset.done $0x0  }
0xa7: {  	s23 =	sadd.s32 s22, s10;
	s25 =	simm.s32 @!p0 $0x8;
	[sflag:s26] =	ssyncadd.s32 $0xFFFFA000  }
0xa8: {  	[hbm4b:s23+s3] =	stream.linear.scatter [tilespmem:s12], [sflag:$0x5], $0x6000, $0x38;
	[tilespmem:$0x1C000] =	vst v63  }
0xa9: {  	_ =	swait.ge @!p0 [sflag:s25], $0x6000  }
0xaa: {  	[sflag:s25] =	ssyncset.done @!p0 $0x0  }
0xab: {  	[sflag:s25] =	ssyncadd.s32 @!p0 $0xFFFFA000  }
0xac: {  	v3 =	vld [tilespmem:s21+$0x0];
	_ =	sdelay $0x4  }
0xad: {  	v62 =	vshll.u32 v3, $0x3  }
0xae: {  	v3 =	vand.u32 $0x7, v3;
	v4 =	vand.u32 $0xFFFFFFC0, v62  }
0xaf: {  	v3 =	vor.u32 v3, v4  }
0xb0: {  	v4 =	vperm.xlane v3, v0;
	_ =	sdelay $0x1  }
0xb1: {  	v4 =	vadd.s32 v1, v4;
	_ =	sdelay $0x4  }
0xb2: {  	[tilespmem:s28], [sflag:$0x4] =	stream.indirect_vreg.gather [hbm4b:s2+s3], $0x80, v4, vm0, $0xb8;
	[tilespmem:$0x1C000] =	vst v63  }
0xb3: {  	v3 =	vperm.xlane v3, v2  }
0xb4: {  	[tilespmem:s29], [sflag:$0x4] =	stream.indirect_vreg.gather [hbm4b:s5+s3], $0x80, v4, vm0, $0xb8;
	[tilespmem:$0x1C000] =	vst v63  }
0xb5: {  	v3 =	vadd.s32 v1, v3  }
0xb6: {  	[tilespmem:s30], [sflag:$0x4] =	stream.indirect_vreg.gather [hbm4b:s6+s3], $0x80, v4, vm0, $0xb8;
	[tilespmem:$0x1C000] =	vst v63  }
0xb7: {  	_ = 	snop  }
0xb8: {  	[tilespmem:s31], [sflag:$0x4] =	stream.indirect_vreg.gather [hbm4b:s7+s3], $0x80, v4, vm0, $0xb8;
	[tilespmem:$0x1C000] =	vst v63  }
0xb9: {  	_ = 	snop  }
0xba: {  	[tilespmem:s1], [sflag:$0x4] =	stream.indirect_vreg.gather [hbm4b:s2+s3], $0x80, v3, vm0, $0xb8;
	[tilespmem:$0x1C000] =	vst v63  }
0xbb: {  	_ = 	snop  }
0xbc: {  	[tilespmem:s0], [sflag:$0x4] =	stream.indirect_vreg.gather [hbm4b:s5+s3], $0x80, v3, vm0, $0xb8;
	[tilespmem:$0x1C000] =	vst v63  }
0xbd: {  	_ = 	snop  }
0xbe: {  	[tilespmem:s4], [sflag:$0x4] =	stream.indirect_vreg.gather [hbm4b:s6+s3], $0x80, v3, vm0, $0xb8;
	[tilespmem:$0x1C000] =	vst v63  }
0xbf: {  	_ = 	snop  }
0xc0: {  	[tilespmem:s9], [sflag:$0x4] =	stream.indirect_vreg.gather [hbm4b:s7+s3], $0x80, v3, vm0, $0xb8;
	[tilespmem:$0x1C000] =	vst v63  }
0xc1: {  	v3 =	vld.msk [tilespmem:s21+$0x10], $0xff;
	_ =	sdelay $0x4  }
0xc2: {  	v63 =	vshll.u32 v3, $0x3  }
0xc3: {  	v3 =	vand.u32 $0x7, v3;
	v4 =	vand.u32 $0xFFFFFFC0, v63  }
0xc4: {  	v3 =	vor.u32 v3, v4  }
0xc5: {  	v3 =	vperm.xlane v3, v0;
	_ =	sdelay $0x1  }
0xc6: {  	v3 =	vadd.s32 v1, v3;
	_ =	sdelay $0x4  }
0xc7: {  	[tilespmem:s11], [sflag:$0x4] =	stream.indirect_vreg.gather [hbm4b:s2+s3], $0x80, v3, vm0, $0xb8;
	[tilespmem:$0x1C000] =	vst v63  }
0xc8: {  	_ = 	snop  }
0xc9: {  	[tilespmem:s8], [sflag:$0x4] =	stream.indirect_vreg.gather [hbm4b:s5+s3], $0x80, v3, vm0, $0xb8;
	[tilespmem:$0x1C000] =	vst v63  }
0xca: {  	_ = 	snop  }
0xcb: {  	[tilespmem:s14], [sflag:$0x4] =	stream.indirect_vreg.gather [hbm4b:s6+s3], $0x80, v3, vm0, $0xb8;
	[tilespmem:$0x1C000] =	vst v63  }
0xcc: {  	p0 =	seq.s32 s22, $0x5D000  }
0xcd: {  	[tilespmem:s15], [sflag:$0x4] =	stream.indirect_vreg.gather [hbm4b:s7+s3], $0x80, v3, vm0, $0xb8;
	[tilespmem:$0x1C000] =	vst v63  }
.Ltmp4:
0xce: {  	_ = 	snop;
	(pc) =	sbr.rel @p0 .LBB2_4-.Ltmp4, $4  }
0xcf: {  	_ =	swait.ge [sflag:s16], $0x6000  }
0xd0: {  	[sflag:s16] =	ssyncset.done $0x0  }
0xd1: {  	s25 =	sadd.s32 $0xC00, s23;
	[sflag:s16] =	ssyncadd.s32 $0xFFFFA000  }
0xd2: {  	[hbm4b:s25+s3] =	stream.linear.scatter [tilespmem:s24], [sflag:$0x6], $0x6000, $0x38;
	[tilespmem:$0x1C000] =	vst v63  }
0xd3: {  	_ =	swait.ge [sflag:s19], $0x6000  }
0xd4: {  	[sflag:s19] =	ssyncset.done $0x0  }
0xd5: {  	[sflag:s19] =	ssyncadd.s32 $0xFFFFA000  }
0xd6: {  	v3 =	vld [tilespmem:s21+$0x80];
	_ =	sdelay $0x4  }
0xd7: {  	v4 =	vshll.u32 v3, $0x3  }
0xd8: {  	v3 =	vand.u32 $0x7, v3;
	v4 =	vand.u32 $0xFFFFFFC0, v4  }
0xd9: {  	v3 =	vor.u32 v3, v4  }
0xda: {  	v4 =	vperm.xlane v3, v0;
	_ =	sdelay $0x1  }
0xdb: {  	v4 =	vadd.s32 v1, v4;
	_ =	sdelay $0x4  }
0xdc: {  	[tilespmem:s12], [sflag:$0x1] =	stream.indirect_vreg.gather [hbm4b:s2+s3], $0x80, v4, vm0, $0xb8;
	[tilespmem:$0x1C000] =	vst v63  }
0xdd: {  	s25 =	simm.s32 $0x4800;
	v3 =	vperm.xlane v3, v2  }
0xde: {  	[tilespmem:s25], [sflag:$0x1] =	stream.indirect_vreg.gather [hbm4b:s5+s3], $0x80, v4, vm0, $0xb8;
	[tilespmem:$0x1C000] =	vst v63  }
0xdf: {  	v3 =	vadd.s32 v1, v3;
	s25 =	simm.s32 $0x5000  }
0xe0: {  	[tilespmem:s25], [sflag:$0x1] =	stream.indirect_vreg.gather [hbm4b:s6+s3], $0x80, v4, vm0, $0xb8;
	[tilespmem:$0x1C000] =	vst v63  }
0xe1: {  	s25 =	simm.s32 $0x5800  }
0xe2: {  	[tilespmem:s25], [sflag:$0x1] =	stream.indirect_vreg.gather [hbm4b:s7+s3], $0x80, v4, vm0, $0xb8;
	[tilespmem:$0x1C000] =	vst v63  }
0xe3: {  	s25 =	simm.s32 $0x6000  }
0xe4: {  	[tilespmem:s25], [sflag:$0x1] =	stream.indirect_vreg.gather [hbm4b:s2+s3], $0x80, v3, vm0, $0xb8;
	[tilespmem:$0x1C000] =	vst v63  }
0xe5: {  	s25 =	simm.s32 $0x6800  }
0xe6: {  	[tilespmem:s25], [sflag:$0x1] =	stream.indirect_vreg.gather [hbm4b:s5+s3], $0x80, v3, vm0, $0xb8;
	[tilespmem:$0x1C000] =	vst v63  }
0xe7: {  	s25 =	simm.s32 $0x7000  }
0xe8: {  	[tilespmem:s25], [sflag:$0x1] =	stream.indirect_vreg.gather [hbm4b:s6+s3], $0x80, v3, vm0, $0xb8;
	[tilespmem:$0x1C000] =	vst v63  }
0xe9: {  	s25 =	simm.s32 $0x7800  }
0xea: {  	[tilespmem:s25], [sflag:$0x1] =	stream.indirect_vreg.gather [hbm4b:s7+s3], $0x80, v3, vm0, $0xb8;
	[tilespmem:$0x1C000] =	vst v63  }
0xeb: {  	v3 =	vld.msk [tilespmem:s21+$0x90], $0xff;
	_ =	sdelay $0x4  }
0xec: {  	v61 =	vshll.u32 v3, $0x3  }
0xed: {  	v3 =	vand.u32 $0x7, v3;
	v4 =	vand.u32 $0xFFFFFFC0, v61  }
0xee: {  	v3 =	vor.u32 v3, v4  }
0xef: {  	v3 =	vperm.xlane v3, v0;
	_ =	sdelay $0x1  }
0xf0: {  	v3 =	vadd.s32 v1, v3;
	_ =	sdelay $0x3  }
0xf1: {  	s25 =	simm.s32 $0x8000  }
0xf2: {  	[tilespmem:s25], [sflag:$0x1] =	stream.indirect_vreg.gather [hbm4b:s2+s3], $0x80, v3, vm0, $0xb8;
	[tilespmem:$0x1C000] =	vst v63  }
0xf3: {  	s25 =	simm.s32 $0x8800  }
0xf4: {  	[tilespmem:s25], [sflag:$0x1] =	stream.indirect_vreg.gather [hbm4b:s5+s3], $0x80, v3, vm0, $0xb8;
	[tilespmem:$0x1C000] =	vst v63  }
0xf5: {  	s25 =	simm.s32 $0x9000  }
0xf6: {  	[tilespmem:s25], [sflag:$0x1] =	stream.indirect_vreg.gather [hbm4b:s6+s3], $0x80, v3, vm0, $0xb8;
	[tilespmem:$0x1C000] =	vst v63  }
0xf7: {  	s25 =	simm.s32 $0x9800  }
0xf8: {  	[tilespmem:s25], [sflag:$0x1] =	stream.indirect_vreg.gather [hbm4b:s7+s3], $0x80, v3, vm0, $0xb8;
	[tilespmem:$0x1C000] =	vst v63  }
0xf9: {  	_ =	swait.ge [sflag:s17], $0x6000  }
0xfa: {  	[sflag:s17] =	ssyncset.done $0x0  }
0xfb: {  	s25 =	sadd.s32 $0x1800, s23;
	[sflag:s17] =	ssyncadd.s32 $0xFFFFA000  }
0xfc: {  	[hbm4b:s25+s3] =	stream.linear.scatter [tilespmem:s13], [sflag:$0x7], $0x6000, $0x38;
	[tilespmem:$0x1C000] =	vst v63  }
0xfd: {  	_ =	swait.ge [sflag:s20], $0x6000  }
0xfe: {  	[sflag:s20] =	ssyncset.done $0x0  }
0xff: {  	[sflag:s20] =	ssyncadd.s32 $0xFFFFA000  }
0x100: {  	v3 =	vld [tilespmem:s21+$0x100];
	_ =	sdelay $0x4  }
0x101: {  	v62 =	vshll.u32 v3, $0x3  }
0x102: {  	v3 =	vand.u32 $0x7, v3;
	v4 =	vand.u32 $0xFFFFFFC0, v62  }
0x103: {  	v3 =	vor.u32 v3, v4  }
0x104: {  	v4 =	vperm.xlane v3, v0;
	_ =	sdelay $0x1  }
0x105: {  	v4 =	vadd.s32 v1, v4;
	_ =	sdelay $0x4  }
0x106: {  	[tilespmem:s24], [sflag:$0x2] =	stream.indirect_vreg.gather [hbm4b:s2+s3], $0x80, v4, vm0, $0xb8;
	[tilespmem:$0x1C000] =	vst v63  }
0x107: {  	s25 =	simm.s32 $0xA800;
	v3 =	vperm.xlane v3, v2  }
0x108: {  	[tilespmem:s25], [sflag:$0x2] =	stream.indirect_vreg.gather [hbm4b:s5+s3], $0x80, v4, vm0, $0xb8;
	[tilespmem:$0x1C000] =	vst v63  }
0x109: {  	v3 =	vadd.s32 v1, v3;
	s25 =	simm.s32 $0xB000  }
0x10a: {  	[tilespmem:s25], [sflag:$0x2] =	stream.indirect_vreg.gather [hbm4b:s6+s3], $0x80, v4, vm0, $0xb8;
	[tilespmem:$0x1C000] =	vst v63  }
0x10b: {  	s25 =	simm.s32 $0xB800  }
0x10c: {  	[tilespmem:s25], [sflag:$0x2] =	stream.indirect_vreg.gather [hbm4b:s7+s3], $0x80, v4, vm0, $0xb8;
	[tilespmem:$0x1C000] =	vst v63  }
0x10d: {  	s25 =	simm.s32 $0xC000  }
0x10e: {  	[tilespmem:s25], [sflag:$0x2] =	stream.indirect_vreg.gather [hbm4b:s2+s3], $0x80, v3, vm0, $0xb8;
	[tilespmem:$0x1C000] =	vst v63  }
0x10f: {  	s25 =	simm.s32 $0xC800  }
0x110: {  	[tilespmem:s25], [sflag:$0x2] =	stream.indirect_vreg.gather [hbm4b:s5+s3], $0x80, v3, vm0, $0xb8;
	[tilespmem:$0x1C000] =	vst v63  }
0x111: {  	s25 =	simm.s32 $0xD000  }
0x112: {  	[tilespmem:s25], [sflag:$0x2] =	stream.indirect_vreg.gather [hbm4b:s6+s3], $0x80, v3, vm0, $0xb8;
	[tilespmem:$0x1C000] =	vst v63  }
0x113: {  	s25 =	simm.s32 $0xD800  }
0x114: {  	[tilespmem:s25], [sflag:$0x2] =	stream.indirect_vreg.gather [hbm4b:s7+s3], $0x80, v3, vm0, $0xb8;
	[tilespmem:$0x1C000] =	vst v63  }
0x115: {  	v3 =	vld.msk [tilespmem:s21+$0x110], $0xff;
	_ =	sdelay $0x4  }
0x116: {  	v63 =	vshll.u32 v3, $0x3  }
0x117: {  	v3 =	vand.u32 $0x7, v3;
	v4 =	vand.u32 $0xFFFFFFC0, v63  }
0x118: {  	v3 =	vor.u32 v3, v4  }
0x119: {  	v3 =	vperm.xlane v3, v0;
	_ =	sdelay $0x1  }
0x11a: {  	v3 =	vadd.s32 v1, v3;
	_ =	sdelay $0x3  }
0x11b: {  	s25 =	simm.s32 $0xE000  }
0x11c: {  	[tilespmem:s25], [sflag:$0x2] =	stream.indirect_vreg.gather [hbm4b:s2+s3], $0x80, v3, vm0, $0xb8;
	[tilespmem:$0x1C000] =	vst v63  }
0x11d: {  	s25 =	simm.s32 $0xE800  }
0x11e: {  	[tilespmem:s25], [sflag:$0x2] =	stream.indirect_vreg.gather [hbm4b:s5+s3], $0x80, v3, vm0, $0xb8;
	[tilespmem:$0x1C000] =	vst v63  }
.Ltmp5:
0x11f: {  	_ = 	snop;
	(pc) =	sbr.rel .LBB2_5-.Ltmp5, $4  }
0x120: {  	s25 =	simm.s32 $0xF000  }
0x121: {  	[tilespmem:s25], [sflag:$0x2] =	stream.indirect_vreg.gather [hbm4b:s6+s3], $0x80, v3, vm0, $0xb8;
	[tilespmem:$0x1C000] =	vst v63  }
0x122: {  	s25 =	simm.s32 $0xF800  }
0x123: {  	[tilespmem:s25], [sflag:$0x2] =	stream.indirect_vreg.gather [hbm4b:s7+s3], $0x80, v3, vm0, $0xb8;
	[tilespmem:$0x1C000] =	vst v63  }
.LBB2_7:
0x124: {  	_ =	sfence.sel $0x180000  }
0x125: {  	[bflag:$0x0] =	sbarrier.arrive $0xFFFF  }
0x126: {  	_ =	strace $0x90000047  }
0x127: {  	s0 =	stileid.u32;
	[bflag:$0x2] =	sbarrier.arrive $0xFFFF  }
0x128: {  	p0 =	sne.s32 s0, $0x0;
	s0 =	rddreg [dreg:$0x2]  }
0x129: {  	s0 =	sadd.s32 @!p0 $0x100000, s0  }
0x12a: {  	[sflag:s0] =	ssyncadd.tile.s32 @!p0 $0x1;
	_ =	shalt  }
.Lfunc_end2:
_tile_overlayer_lowered:
.L_overlay_start_2:
0x12b: {  	(tag) =	ssettag $0x2  }
0x12c: {  	s0 =	rddreg [dreg:$0x0];
	s2 =	stileid.u32  }
0x12d: {  	s1 =	rddreg [dreg:$0x1];
	p0 =	sne.s32 s2, $0x0  }
0x12e: {  	s3 =	rddreg [dreg:$0x2];
	[bflag:$0x3] =	sbarrier.arrive $0xFFFF;
	s2 =	simm.s32 @!p0 $0x1C09  }
0x12f: {  	[timem:s3], [sflag:s2] =	dma.local @!p0 [hbm:s0], s1  }
0x130: {  	s0 =	simm.s32 @!p0 $0x9  }
0x131: {  	_ =	swait.ge @!p0 [sflag:s0], s1  }
0x132: {  	s1 =	ssub.s32 @!p0 $0x0, s1;
	[sflag:s0] =	ssyncset.done @!p0 $0x0  }
0x133: {  	[sflag:s0] =	ssyncadd.s32 @!p0 s1  }
0x134: {  	[bflag:$0x3] =	sbarrier.arrive $0xFFFF  }
0x135: {  	_ =	shalt  }

// kernel: sparse-core-data-format-call.cloned.1.call-start
scs
called_computation_lowered:
.L_overlay_start_0:
0x0: {  	s2 =	sld [smem:$0x3FD9]  }
0x1: {  	s3 =	sld [smem:$0x3FFE];
	_ =	sdelay $0x1  }
0x2: {  	s1 =	srdreg.scid  }
0x3: {  	s0 =	sand.u32 $0x1, s1  }
0x4: {  	s18 =	sshll.u32 s0, $0xA;
	s2 =	sadd.s32 s3, s2  }
0x5: {  	s2 =	sadd.s32 s2, s18  }
0x6: {  	[smem:$0x3FC3] =	sst s2  }
0x7: {  	_ = 	snop  }
0x8: {  	s2 =	sld [smem:$0x3FD0];
	(tm) =	ssettm $0x1  }
0x9: {  	s19 =	sld [smem:$0x3FFB];
	_ =	sdelay $0x3  }
0xa: {  	_ =	strace s19  }
0xb: {  	s3 =	sld [smem:$0x3FFC];
	_ =	sdelay $0x3  }
0xc: {  	_ =	strace s3  }
0xd: {  	s3 =	sld [smem:$0x3FFD];
	_ =	sdelay $0x3  }
0xe: {  	_ =	strace s3  }
0xf: {  	_ =	strace $0x8FFFFFFF  }
0x10: {  	s20 =	sld [smem:$0x3FDB];
	_ =	sdelay $0x1  }
0x11: {  	s4 =	simm.s32 $_scs_section_size  }
0x12: {  	s5 =	simm.s32 $_size__tile_overlayer_lowered;
	s6 =	simm.s32 $_tile_overlayer_lowered  }
0x13: {  	s23 =	simm.s32 $0x1BFF;
	s22 =	sshll.u32 s6, $0x1;
	s3 =	sadd.s32 s4, s20  }
0x14: {  	s7 =	simm.s32 $0x0;
	s21 =	sshll.u32 s5, $0x1;
	s5 =	sadd.s32 s22, s3  }
0x15: {  	[timem:s7], [sflag:s23] =	dma.local [hbm:s5], s21  }
0x16: {  	_ =	swait.ge [sflag:s23], s21  }
0x17: {  	s4 =	ssub.s32 $0x0, s21;
	[sflag:s23] =	ssyncset.done $0x0  }
0x18: {  	[sflag:s23] =	ssyncadd.s32 s4;
	_ =	sdelay $0x1  }
0x19: {  	s24 =	simm.s32 $0x1B8B  }
0x1a: {  	_ =	swait.ge [sflag:s24], $0x1  }
0x1b: {  	[sflag:s24] =	ssyncset.done $0x0  }
0x1c: {  	s26 =	simm.s32 $0x1B8E;
	s25 =	sld [smem:$0x3FFE];
	[sflag:s24] =	ssyncadd.s32 $0xFFFFFFFF  }
0x1d: {  	s27 =	simm.s32 $execute0_lowered;
	[smem:$0x3FD2] =	sst s26  }
0x1e: {  	s5 =	sshll.u32 s27, $0x1;
	_ =	strace $0x80000049;
	[dreg:$0x1] =	wrdreg $0xFFFFFFFF  }
0x1f: {  	s28 =	simm.s32 $_size_execute0_lowered;
	s3 =	sadd.s32 s3, s5;
	[dreg:$0x0] =	wrdreg $0x0  }
0x20: {  	s5 =	sshll.u32 s28, $0x1;
	[dreg:$0x2] =	wrdreg s3  }
0x21: {  	[dreg:$0x3] =	wrdreg s5  }
0x22: {  	[dreg:$0x4] =	wrdreg $0xC0  }
0x23: {  	_ =	task [dreg:s7], $0x5FFFF  }
0x24: {  	[dreg:$0x1] =	wrdreg $0xFFFFFFFF  }
0x25: {  	[dreg:$0x0] =	wrdreg $0x60  }
0x26: {  	[dreg:$0x2] =	wrdreg s25  }
0x27: {  	[dreg:$0x3] =	wrdreg s2  }
0x28: {  	[dreg:$0x4] =	wrdreg $0x9  }
0x29: {  	_ =	task.clear_ibuf [dreg:s7], $0x5FFFF;
	_ =	strace $0x90000049  }
0x2a: {  	s29 =	simm.s32 $0x9;
	_ =	strace $0x8000004B  }
0x2b: {  	_ =	swait.ge [sflag:s29], $0x1  }
0x2c: {  	[sflag:s29] =	ssyncadd.s32 $0xFFFFFFFF  }
0x2d: {  	_ =	strace $0x9000004B  }
0x2e: {  	_ =	sfence  }
0x2f: {  	s30 =	sld [smem:$0x0];
	_ =	sdelay $0x2  }
0x30: {  	s31 =	sshll.u32 s1, $0xD;
	s1 =	sshrl.u32 s1, $0x2  }
0x31: {  	s3 =	sand.u32 $0x4000, s31;
	s1 =	sadd.s32 s1, s30  }
0x32: {  	s0 =	sor.u32 s3, s0;
	s1 =	sshll.u32 s1, $0x11  }
0x33: {  	s0 =	sor.u32 s1, s0  }
0x34: {  	s0 =	sadd.s32 $0x8F2B, s0  }
0x35: {  	[sflag:s0] =	ssyncadd.remote.s32 $0x1  }
0x36: {  	_ =	sfence.sel $0xFFFF  }
0x37: {  	[dreg:$0x0] =	wrdreg $0xFFFFFFFF;
	(pc) =	sbr.abs _section_cstart, $3  }
0x38: {  	[dreg:$0x1] =	wrdreg $0xFFFFFFFF  }
0x39: {  	_ =	task.clear_ibuf [dreg:s7], $0x2FFFF;
	_ =	strace $0x9FFFFFFF  }
0x3a: {  	(tm) =	ssettm $0x7FFFFFFF  }
0x3b: {  	_ =	shalt  }
tec
execute0_lowered:
.L_overlay_start_1:
0x0: {  	(tag) =	ssettag $0x1  }
0x1: {  	s0 =	srdreg.scid;
	s6 =	rddreg [dreg:$0x0]  }
0x2: {  	s3 =	rddreg [dreg:$0x1];
	s1 =	sshll.u32 s0, $0x4  }
0x3: {  	s5 =	simm.s32 $0x1;
	s0 =	stileid.u32;
	s1 =	sand.u32 $0x10, s1  }
0x4: {  	s31 =	simm.s32 $0x2;
	s16 =	simm.s32 $0x0;
	s1 =	sor.u32 s0, s1  }
0x5: {  	s8 =	simm.s32 $0x8000;
	s18 =	simm.s32 $0x0;
	s2 =	sshll.u32 s1, $0x7  }
0x6: {  	s17 =	simm.s32 $0x0;
	s9 =	simm.s32 $0x0;
	s4 =	ssub.s32 $0x1000, s2  }
0x7: {  	s10 =	simm.s32 $0x0;
	s11 =	simm.s32 $0x0;
	s30 =	sand.u32 $0xF80, s4  }
0x8: {  	s12 =	simm.s32 $0x0;
	s13 =	simm.s32 $0x0;
	p0 =	sne.s32 s30, $0x0  }
.Ltmp0:
0x9: {  	s7 =	sshrl.u32 s4, $0xC;
	s5 =	simm.s32 @!p0 $0x0;
	(pc) =	sbr.rel .LBB1_1-.Ltmp0, $4  }
0xa: {  	s15 =	simm.s32 $0x0;
	s1 =	rddreg [dreg:$0x2];
	s5 =	sadd.s32 s5, s7  }
0xb: {  	_ =	strace $0x8000004A;
	s4 =	simm.s32 $0x1;
	s5 =	smul.u32 $0xA0, s5  }
0xc: {  	s6 =	sadd.s32 $0x10E00, s6;
	s14 =	smov.u32 s2;
	[sflag:s4] =	ssyncpa.u1 $0x0  }
0xd: {  	[sflag:s31] =	ssyncpa.u1 $0x0;
	p0 =	por $0x0, $0x0;
	s7 =	sor.u32 $0x1, s5  }
.LBB1_4:
0xe: {  	s23 =	sshra.s32 s23, $0x2;
	s30 =	sshll.u32 s9, $0xC  }
0xf: {  	p1 =	sgt.s32 s10, $0x13;
	s24 =	smov.u32 s10;
	s25 =	sshra.s32 s10, $0x1F  }
0x10: {  	s26 =	sshll.u32 s11, $0x3;
	s28 =	smov.u32 s11;
	s29 =	sshra.s32 s11, $0x1F  }
0x11: {  	s22 =	sadd.s32 s23, s22;
	s24 =	simm.s32 @!p1 $0x13;
	s25 =	sand.u32 s25, s10  }
0x12: {  	s23 =	sand.u32 $0xFFFF8000, s30;
	s27 =	sand.u32 $0xFFFFFC00, s26;
	p1 =	sgt.s32 s9, $0x368  }
0x13: {  	s31 =	sand.u32 s29, s11;
	s29 =	sshll.u32 s9, $0x7;
	s30 =	sshra.s32 s9, $0x1F  }
0x14: {  	[tilespmem:s21+$0x2040 ss:$0x81] =	vst.msk $0xffff, v4;
	s24 =	ssub.s32 s24, s25;
	s23 =	sadd.s32 s27, s23;
	s27 =	smov.u32 s9  }
0x15: {  	[tilespmem:s21+$0x2850 ss:$0x81] =	vst.msk $0xffff, v3;
	s29 =	sand.u32 $0x380, s29;
	s25 =	sadd.s32 $0xFFFFFFED, s24;
	s27 =	simm.s32 @!p1 $0x368  }
0x16: {  	v5 =	vld [tilespmem:s20+$0xFFFFFFD0];
	[tilespmem:s21+$0x3060 ss:$0x81] =	vst.msk $0xffff, v2;
	p1 =	sgt.s32 s11, $0xF80;
	s23 =	sshrl.u32 s23, $0xC;
	s24 =	ssub.s32 $0x14, s24  }
0x17: {  	v58 =	vld [tilespmem:s20+$0xFFFFFFE0];
	[tilespmem:s21+$0x0 ss:$0x81] =	vst.msk $0xffff, v1;
	s28 =	simm.s32 @!p1 $0xF80;
	p1 =	sgt.s32 s25, $0x0;
	s21 =	smulhi.u32 $0x418938, s23  }
0x18: {  	v59 =	vld [tilespmem:s20+$0xFFFFFFF0];
	s25 =	ssub.s32 s28, s31;
	s28 =	sand.u32 s30, s9;
	s24 =	simm.s32 @p1 $0x0  }
0x19: {  	v60 =	vld [tilespmem:s20+$0x0];
	s27 =	ssub.s32 s27, s28;
	s31 =	sadd.s32 $0xFFFFF080, s25;
	s25 =	ssub.s32 $0x1000, s25  }
0x1a: {  	v61 =	vld [tilespmem:s20+$0x10];
	[tilespmem:s22+$0x3870 ss:$0x81] =	vst.msk $0xffff, v0;
	s21 =	smul.u32 $0x3E8, s21;
	s28 =	sand.u32 $0x7, s11;
	p1 =	sgt.s32 s31, $0x7F  }
0x1b: {  	v62 =	vld [tilespmem:s20+$0x20];
	[tilespmem:s22+$0x810 ss:$0x81] =	vst.msk $0xffff, v5;
	s30 =	sadd.s32 $0xFFFFFC98, s27;
	s31 =	sand.u32 $0x78, s11;
	s25 =	simm.s32 @p1 $0x0  }
0x1c: {  	v63 =	vld [tilespmem:s20+$0xFFFFFFC0];
	[tilespmem:s22+$0x1020 ss:$0x81] =	vst.msk $0xffff, v58;
	p1 =	sgt.s32 s30, $0x7F;
	s30 =	sand.u32 $0xC00, s26;
	s24 =	smul.u32 s25, s24  }
0x1d: {  	[tilespmem:s22+$0x1830 ss:$0x81] =	vst.msk $0xffff, v59;
	s26 =	ssub.s32 $0x3E8, s27;
	s20 =	sor.u32 s31, s30;
	s31 =	smul.u32 $0x7D000, s10  }
0x1e: {  	[tilespmem:s22+$0x2040 ss:$0x81] =	vst.msk $0xffff, v60;
	s21 =	ssub.s32 s23, s21;
	s26 =	simm.s32 @p1 $0x0;
	s20 =	sor.u32 s29, s20  }
0x1f: {  	[tilespmem:s22+$0x2850 ss:$0x81] =	vst.msk $0xffff, v61;
	s26 =	smul.u32 s26, s24;
	s20 =	sshrl.u32 s20, $0x3;
	s27 =	sadd.s32 s3, s31  }
0x20: {  	[tilespmem:s22+$0x3060 ss:$0x81] =	vst.msk $0xffff, v62;
	s21 =	sshll.u32 s21, $0x9;
	s29 =	sshll.u32 s28, $0x12;
	s20 =	sadd.s32 s20, s27  }
0x21: {  	[tilespmem:s22+$0x0 ss:$0x81] =	vst.msk $0xffff, v63;
	s31 =	sor.u32 $0x400, s29;
	s30 =	sand.u32 $0x3FFFFFFF, s26;
	s20 =	sadd.s32 s21, s20  }
0x22: {  	[hbm4b:s20+s31] =	stream.strided.scatter [tilespmem:s19], [sflag:$0x2], s30, s8, s31, $0x20;
	[tilespmem:$0x10100] =	vst v63  }
.LBB1_5:
0x23: {  	p1 =	slt.u32 s15, $0x2  }
0x24: {  	p2 =	sgt.s32 @!p1 s18, $0x13  }
0x25: {  	s19 =	smov.u32 s18;
	s20 =	sshra.s32 @!p1 s18, $0x1F;
	p2 =	por !p2, p1  }
0x26: {  	s18 =	sand.u32 @!p1 s20, s18;
	s19 =	simm.s32 @p2 $0x13  }
0x27: {  	p3 =	sgt.s32 @!p1 s16, $0x368;
	s18 =	ssub.s32 @!p1 s19, s18  }
0x28: {  	p4 =	sgt.s32 @!p1 s17, $0xF80;
	s21 =	sshra.s32 @!p1 s17, $0x1F;
	s19 =	sadd.s32 @!p1 $0xFFFFFFED, s18  }
0x29: {  	s20 =	smov.u32 s16;
	p2 =	sgt.s32 @!p1 s19, $0x0;
	s19 =	sshra.s32 @!p1 s16, $0x1F  }
0x2a: {  	p4 =	por !p4, p1;
	s16 =	sand.u32 @!p1 s19, s16;
	s19 =	smov.u32 s17  }
0x2b: {  	p3 =	por !p3, p1;
	s17 =	sand.u32 @!p1 s21, s17;
	s19 =	simm.s32 @p4 $0xF80  }
0x2c: {  	s20 =	simm.s32 @p3 $0x368;
	s18 =	ssub.s32 @!p1 $0x14, s18;
	s17 =	ssub.s32 @!p1 s19, s17  }
0x2d: {  	p2 =	por !p2, p1;
	s16 =	ssub.s32 @!p1 s20, s16;
	s20 =	sadd.s32 @!p1 $0xFFFFF080, s17  }
0x2e: {  	s18 =	simm.s32 @!p2 $0x0;
	p3 =	sgt.s32 @!p1 s20, $0x7F  }
0x2f: {  	s19 =	sadd.s32 @!p1 $0xFFFFFC98, s16;
	s17 =	ssub.s32 @!p1 $0x1000, s17;
	p3 =	por !p3, p1  }
0x30: {  	p2 =	sgt.s32 @!p1 s19, $0x7F;
	s19 =	sadd.s32 $0x80, s12;
	s17 =	simm.s32 @!p3 $0x0  }
0x31: {  	p3 =	sgt.s32 s19, $0x3E7;
	s17 =	smul.u32 @!p1 s17, s18;
	s18 =	simm.s32 $0x1  }
0x32: {  	s16 =	ssub.s32 @!p1 $0x3E8, s16;
	p2 =	por !p2, p1;
	s18 =	simm.s32 @!p3 $0x0  }
0x33: {  	s21 =	smov.u32 s14;
	s16 =	simm.s32 @!p2 $0x0;
	s20 =	sadd.s32 s18, s13  }
0x34: {  	s16 =	smul.u32 @!p1 s16, s17;
	s17 =	sadd.s32 $0x1000, s14;
	p2 =	sgt.s32 s20, $0x13  }
0x35: {  	p0 =	por !p0, !p0;
	s22 =	simm.s32 @!p1 $0x2;
	s21 =	smov.u32 @p2 s17  }
0x36: {  	s19 =	simm.s32 @p3 $0x0;
	s20 =	simm.s32 @p2 $0x0;
	p2 =	sgt.s32 s21, $0xFFF  }
0x37: {  	s18 =	smov.u32 s10;
	s21 =	smov.u32 @p2 s2;
	p2 =	sne.s32 s15, s7  }
.Ltmp1:
0x38: {  	s10 =	smov.u32 s13;
	s16 =	sand.u32 @!p1 $0x3FFFFFFF, s16;
	(pc) =	sbr.rel @!p2 .LBB1_6-.Ltmp1, $4  }
0x39: {  	s17 =	smov.u32 s11;
	s11 =	smov.u32 s14;
	_ =	swait.ge @!p1 [sflag:s22], s16  }
0x3a: {  	s23 =	ssub.s32 @!p1 $0x0, s16;
	s16 =	smov.u32 s9;
	s9 =	smov.u32 s12  }
0x3b: {  	s12 =	smov.u32 s19;
	s13 =	smov.u32 s20;
	[sflag:s22] =	ssyncset.done @!p1 $0x0  }
0x3c: {  	s15 =	sadd.s32 $0x1, s15;
	[sflag:s22] =	ssyncadd.s32 @!p1 s23;
	s14 =	smov.u32 s21  }
.LBB1_1:
0x3d: {  	p1 =	sge.u32 s15, s5  }
0x3e: {  	s19 =	sshll.u32 @!p1 s13, $0xA  }
0x3f: {  	s20 =	sshll.u32 @!p1 s12, $0x3;
	s19 =	sand.u32 @!p1 $0xFFFFE000, s19  }
0x40: {  	s19 =	sadd.s32 @!p1 s19, s20  }
0x41: {  	s19 =	sshrl.u32 @!p1 s19, $0xA  }
0x42: {  	s20 =	smulhi.u32 @!p1 $0xAAAAAAB, s19  }
0x43: {  	s21 =	sshll.u32 @!p1 s13, $0x7;
	s23 =	smul.u32 @!p1 $0xC00, s14  }
0x44: {  	s22 =	sand.u32 @!p1 $0x78, s12;
	s21 =	sand.u32 @!p1 $0x380, s21;
	s20 =	smul.u32 @!p1 $0x18, s20  }
0x45: {  	s31 =	sadd.s32 $0xFFFFFFFF, s15;
	s21 =	sor.u32 @!p1 s22, s21;
	s22 =	sadd.s32 @!p1 s6, s23  }
0x46: {  	s21 =	sshrl.u32 @!p1 s21, $0x3;
	s19 =	ssub.s32 @!p1 s19, s20;
	s20 =	sxor.u32 @!p1 $0xFFFFFFFF, s15  }
0x47: {  	s21 =	sadd.s32 @!p1 s21, s22;
	s22 =	sand.u32 @!p1 $0x7, s12;
	s20 =	sshll.u32 @!p1 s20, $0xE  }
0x48: {  	s22 =	sshll.u32 @!p1 s22, $0x12;
	s19 =	sshll.u32 @!p1 s19, $0x7;
	s20 =	sand.u32 @!p1 $0x4000, s20  }
0x49: {  	s19 =	sadd.s32 @!p1 s19, s21;
	s21 =	sor.u32 @!p1 $0x80, s22;
	s22 =	simm.s32 @!p1 $0x6000  }
0x4a: {  	[tilespmem:s20], [sflag:$0x1] =	stream.strided.gather @!p1 [hbm4b:s19+s21], $0x4000, s22, s21, $0x38;
	[tilespmem:$0x10100] =	vst v63  }
0x4b: {  	p1 =	sge.u32 s31, s5  }
.Ltmp2:
0x4c: {  	_ = 	snop;
	(pc) =	sbr.rel @p1 .LBB1_5-.Ltmp2, $1  }
0x4d: {  	_ =	sdelay $0x3  }
0x4e: {  	s19 =	simm.s32 $0x1  }
0x4f: {  	_ =	swait.ge [sflag:s4], $0x4000;
	s19 =	simm.s32 @!p0 $0x0  }
0x50: {  	[sflag:s4] =	ssyncset.done $0x0;
	s20 =	sshll.u32 s19, $0xE  }
0x51: {  	[sflag:s4] =	ssyncadd.s32 $0xFFFFC000;
	s20 =	sor.u32 $0x40, s20  }
0x52: {  	s19 =	smul.u32 $0x10200, s19;
	v0 =	vld [tilespmem:s20+$0x30]  }
0x53: {  	v1 =	vld [tilespmem:s20+$0xFFFFFFD0]  }
0x54: {  	s19 =	sshrl.u32 s19, $0x2;
	v5 =	vld [tilespmem:s20+$0xFFFFFFE0]  }
0x55: {  	v6 =	vld [tilespmem:s20+$0xFFFFFFF0];
	s22 =	sor.u32 $0x8000, s19  }
0x56: {  	s31 =	sand.u32 $0x1, s15;
	v4 =	vld [tilespmem:s20+$0x0];
	s21 =	sadd.s32 $0x0, s22  }
0x57: {  	v3 =	vld [tilespmem:s20+$0x10];
	s19 =	smul.u32 $0x10200, s31;
	[tilespmem:s21+$0x3870 ss:$0x81] =	vst.msk $0xffff, v0  }
0x58: {  	v2 =	vld [tilespmem:s20+$0x20];
	[tilespmem:s21+$0x810 ss:$0x81] =	vst.msk $0xffff, v1  }
0x59: {  	s19 =	sshrl.u32 s19, $0x2;
	v1 =	vld [tilespmem:s20+$0xFFFFFFC0];
	[tilespmem:s21+$0x1020 ss:$0x81] =	vst.msk $0xffff, v5;
	s20 =	sadd.s32 $0x80, s20  }
0x5a: {  	s23 =	simm.s32 $0x4;
	s24 =	simm.s32 $0x8;
	s19 =	sor.u32 $0x8000, s19;
	[tilespmem:s21+$0x1830 ss:$0x81] =	vst.msk $0xffff, v6;
	v0 =	vld [tilespmem:s20+$0x30]  }
.LBB1_3:
0x5b: {  	p1 =	sne.s32 s24, $0x1FC;
	v5 =	vld [tilespmem:s20+$0xFFFFFFD0];
	[tilespmem:s21+$0x2040 ss:$0x81] =	vst.msk $0xffff, v4  }
0x5c: {  	v6 =	vld [tilespmem:s20+$0xFFFFFFE0];
	[tilespmem:s21+$0x2850 ss:$0x81] =	vst.msk $0xffff, v3  }
0x5d: {  	s25 =	sshra.s32 s23, $0x2;
	s23 =	smov.u32 s24;
	v7 =	vld [tilespmem:s20+$0xFFFFFFF0];
	[tilespmem:s21+$0x3060 ss:$0x81] =	vst.msk $0xffff, v2  }
.Ltmp3:
0x5e: {  	v4 =	vld [tilespmem:s20+$0x0];
	[tilespmem:s21+$0x0 ss:$0x81] =	vst.msk $0xffff, v1;
	s21 =	sadd.s32 s25, s22;
	(pc) =	sbr.rel @p1 .LBB1_3-.Ltmp3, $4  }
0x5f: {  	v3 =	vld [tilespmem:s20+$0x10];
	[tilespmem:s21+$0x3870 ss:$0x81] =	vst.msk $0xffff, v0  }
0x60: {  	[tilespmem:s21+$0x810 ss:$0x81] =	vst.msk $0xffff, v5;
	v2 =	vld [tilespmem:s20+$0x20]  }
0x61: {  	v1 =	vld [tilespmem:s20+$0xFFFFFFC0];
	[tilespmem:s21+$0x1020 ss:$0x81] =	vst.msk $0xffff, v6;
	s20 =	sadd.s32 $0x80, s20  }
0x62: {  	s24 =	sadd.s32 $0x4, s24;
	v0 =	vld [tilespmem:s20+$0x30];
	[tilespmem:s21+$0x1830 ss:$0x81] =	vst.msk $0xffff, v7  }
.Ltmp4:
0x63: {  	_ = 	snop;
	(pc) =	sbr.rel .LBB1_4-.Ltmp4, $1  }
0x64: {  	_ =	sdelay $0x3  }
.LBB1_6:
0x65: {  	_ =	sfence.sel $0x180000  }
0x66: {  	s2 =	simm.s32 $0x1;
	[bflag:$0x0] =	sbarrier.arrive $0xFFFF  }
0x67: {  	s31 =	simm.s32 $0x2;
	[sflag:s2] =	ssyncpa.u1 $0x1  }
0x68: {  	[sflag:s31] =	ssyncpa.u1 $0x1  }
0x69: {  	p0 =	sne.s32 s0, $0x0;
	_ =	strace $0x9000004A  }
0x6a: {  	s0 =	sadd.s32 @!p0 $0x100000, s1;
	[bflag:$0x2] =	sbarrier.arrive $0xFFFF  }
0x6b: {  	[sflag:s0] =	ssyncadd.tile.s32 @!p0 $0x1;
	_ =	shalt  }
.Lfunc_end1:
_tile_overlayer_lowered:
.L_overlay_start_2:
0x6c: {  	(tag) =	ssettag $0x2  }
0x6d: {  	s0 =	rddreg [dreg:$0x0];
	s2 =	stileid.u32  }
0x6e: {  	s1 =	rddreg [dreg:$0x1];
	p0 =	sne.s32 s2, $0x0  }
0x6f: {  	s3 =	rddreg [dreg:$0x2];
	[bflag:$0x3] =	sbarrier.arrive $0xFFFF;
	s2 =	simm.s32 @!p0 $0x1C01  }
0x70: {  	[timem:s3], [sflag:s2] =	dma.local @!p0 [hbm:s0], s1  }
0x71: {  	s0 =	simm.s32 @!p0 $0x1  }
0x72: {  	_ =	swait.ge @!p0 [sflag:s0], s1  }
0x73: {  	s1 =	ssub.s32 @!p0 $0x0, s1;
	[sflag:s0] =	ssyncset.done @!p0 $0x0  }
0x74: {  	[sflag:s0] =	ssyncadd.s32 @!p0 s1  }
0x75: {  	[bflag:$0x3] =	sbarrier.arrive $0xFFFF  }
0x76: {  	_ =	shalt  }

</sc_bundles>
